<compile_context>
chip_gen: v7x
topology: tpu7x:2x2x1
jax: 0.10.2.dev20260603
libtpu: 0.0.44.dev20260713+nightly
codegen_flags: <defaults>
</compile_context>

<pallas_src>
import functools

import jax
import jax.numpy as jnp
from jax import lax
from jax.experimental import pallas as pl
from jax.experimental.pallas import tpu as pltpu
from jax.experimental.pallas import tpu_sc as plsc

N_NODES = 10000
N_EDGES = 320000
D = 128

NC = 2
NS = 16
NW = NC * NS
L = 16

EPW = N_EDGES // NW
G = 80
NCHUNK = EPW // G


def _proj_body(nf_ref, w1_ref, b1_ref, w2t_ref, b2_ref, a_ref, b_ref, wc_ref):
    x = nf_ref[...]
    w1a = w1_ref[0:D, :]
    w1b = w1_ref[D:2 * D, :]
    a_ref[...] = jnp.dot(x, w1a, preferred_element_type=jnp.float32) + b1_ref[...]
    b_ref[...] = jnp.dot(x, w1b, preferred_element_type=jnp.float32)
    w = w2t_ref[0, :] - w2t_ref[1, :]
    c = b2_ref[0, 0] - b2_ref[0, 1]
    wc_ref[...] = jnp.concatenate([w, jnp.full((L,), c, jnp.float32)]).reshape(1, D + L)


def _node_projections(nf, W1, b1, W2, b2):
    BN = 400
    grid = (N_NODES // BN,)
    return pl.pallas_call(
        _proj_body,
        grid=grid,
        in_specs=[
            pl.BlockSpec((BN, D), lambda i: (i, 0)),
            pl.BlockSpec((2 * D, D), lambda i: (0, 0)),
            pl.BlockSpec((1, D), lambda i: (0, 0)),
            pl.BlockSpec((2, D), lambda i: (0, 0)),
            pl.BlockSpec((1, 2), lambda i: (0, 0)),
        ],
        out_specs=[
            pl.BlockSpec((BN, D), lambda i: (i, 0)),
            pl.BlockSpec((BN, D), lambda i: (i, 0)),
            pl.BlockSpec((1, D + L), lambda i: (0, 0)),
        ],
        out_shape=[
            jax.ShapeDtypeStruct((N_NODES, D), jnp.float32),
            jax.ShapeDtypeStruct((N_NODES, D), jnp.float32),
            jax.ShapeDtypeStruct((1, D + L), jnp.float32),
        ],
    )(nf, W1, b1.reshape(1, D), W2.T, b2.reshape(1, 2))


def _edge_body(a_hbm, b_hbm, src_hbm, dst_hbm, wc_hbm, oc_hbm, ot_hbm,
               idx_s, idx_d, buf_a0, buf_b0, buf_a1, buf_b1,
               wc_v, oc_all, ot_all, sg0, sg1):
    wid = lax.axis_index("s") * NC + lax.axis_index("c")
    base = wid * EPW

    pltpu.sync_copy(wc_hbm, wc_v)
    pltpu.sync_copy(src_hbm.at[pl.ds(base, EPW)], idx_s)
    pltpu.sync_copy(dst_hbm.at[pl.ds(base, EPW)], idx_d)
    cvec = wc_v[pl.ds(D, L)]
    iota = lax.iota(jnp.int32, L)
    rows = [jnp.full((L,), g * L, jnp.int32) + iota for g in range(G // L)]
    slots = ((buf_a0, buf_b0, sg0), (buf_a1, buf_b1, sg1))

    def fire(c, s):
        ba, bb, sem = slots[s]
        off = c * G
        pltpu.async_copy(a_hbm.at[idx_s.at[pl.ds(off, G)]], ba, sem)
        pltpu.async_copy(b_hbm.at[idx_d.at[pl.ds(off, G)]], bb, sem)

    def drain(s):
        ba, bb, sem = slots[s]
        pltpu.make_async_copy(a_hbm.at[idx_s.at[pl.ds(0, G)]], ba, sem).wait()
        pltpu.make_async_copy(b_hbm.at[idx_d.at[pl.ds(0, G)]], bb, sem).wait()

    def compute(c, s):
        ba, bb, _ = slots[s]

        def kstep(k, accs):
            colk = (iota + k) & (D - 1)
            wk = plsc.load_gather(wc_v, [colk])
            new = []
            for g in range(G // L):
                xa = plsc.load_gather(ba, [rows[g], colk])
                xb = plsc.load_gather(bb, [rows[g], colk])
                x = jnp.maximum(xa + xb, 0.0)
                new.append(accs[g] + x * wk)
            return tuple(new)

        accs = lax.fori_loop(0, D, kstep, tuple(cvec for _ in range(G // L)),
                             unroll=2)
        obase = c * G
        for g in range(G // L):
            d = accs[g]
            oc_all[pl.ds(obase + g * L, L)] = 1.0 / (1.0 + jnp.exp(-d))
            ot_all[pl.ds(obase + g * L, L)] = 1.0 / (1.0 + jnp.exp(d))

    fire(0, 0)

    def pair(j, carry):
        c0 = 2 * j
        fire(c0 + 1, 1)
        drain(0)
        compute(c0, 0)
        fire(c0 + 2, 0)
        drain(1)
        compute(c0 + 1, 1)
        return carry

    lax.fori_loop(0, (NCHUNK - 1) // 2, pair, 0)
    drain(0)
    compute(NCHUNK - 1, 0)
    pltpu.sync_copy(oc_all, oc_hbm.at[pl.ds(base, EPW)])
    pltpu.sync_copy(ot_all, ot_hbm.at[pl.ds(base, EPW)])


def _edge_scores(A, B, src, dst, wc):
    mesh = plsc.VectorSubcoreMesh(core_axis_name="c", subcore_axis_name="s")
    f = functools.partial(
        pl.kernel,
        mesh=mesh,
        out_type=[
            jax.ShapeDtypeStruct((N_EDGES,), jnp.float32),
            jax.ShapeDtypeStruct((N_EDGES,), jnp.float32),
        ],
        scratch_types=[
            pltpu.VMEM((EPW,), jnp.int32),
            pltpu.VMEM((EPW,), jnp.int32),
            pltpu.VMEM((G, D), jnp.float32),
            pltpu.VMEM((G, D), jnp.float32),
            pltpu.VMEM((G, D), jnp.float32),
            pltpu.VMEM((G, D), jnp.float32),
            pltpu.VMEM((D + L,), jnp.float32),
            pltpu.VMEM((EPW,), jnp.float32),
            pltpu.VMEM((EPW,), jnp.float32),
            pltpu.SemaphoreType.DMA,
            pltpu.SemaphoreType.DMA,
        ],
        compiler_params=pltpu.CompilerParams(needs_layout_passes=False),
    )(_edge_body)
    return f(A, B, src, dst, wc)


def kernel(node_features, edge_index, W1, b1, W2, b2):
    src = edge_index[0].astype(jnp.int32)
    dst = edge_index[1].astype(jnp.int32)
    A, B, wc = _node_projections(node_features, W1, b1, W2, b2)
    edge_c, edge_t = _edge_scores(A, B, src, dst, wc.reshape(D + L))
    return (edge_c, edge_t)

# --- scband reference (transcript-rebuilt; emitter-appended) ---
"""Pipeline reference for scband-edge-attention-64115271794804 (READ-ONLY COPY).

The authoritative reference and input builder live on the scoring server;
editing this copy changes nothing except your own understanding.
"""

import jax, jax.numpy as jnp
import numpy as np

N_NODES = 10000
N_EDGES = 320000
D = 128

def setup_inputs(seed: int = 0) -> dict:
    key = jax.random.key(seed)
    k1, k2, k3, k4, k5, k6 = jax.random.split(key, 6)
    node_features = jax.random.normal(k1, (N_NODES, D), dtype=jnp.float32)
    edge_index = jax.random.randint(k2, (2, N_EDGES), 0, N_NODES, dtype=jnp.int64)
    # Linear(2D -> D) params (PyTorch layout: W [out, in]); stored transposed for x @ W
    lim1 = 1.0 / np.sqrt(2 * D)
    W1 = jax.random.uniform(k3, (2 * D, D), dtype=jnp.float32, minval=-lim1, maxval=lim1)
    b1 = jax.random.uniform(k4, (D,), dtype=jnp.float32, minval=-lim1, maxval=lim1)
    # Linear(D -> 2)
    lim2 = 1.0 / np.sqrt(D)
    W2 = jax.random.uniform(k5, (D, 2), dtype=jnp.float32, minval=-lim2, maxval=lim2)
    b2 = jax.random.uniform(k6, (2,), dtype=jnp.float32, minval=-lim2, maxval=lim2)
    return {"node_features": node_features, "edge_index": edge_index,
            "W1": W1, "b1": b1, "W2": W2, "b2": b2}

def reference(node_features, edge_index, W1, b1, W2, b2):
    # gather src/dst node features per edge (SparseCore-friendly gathers)
    src_features = jnp.take(node_features, edge_index[0], axis=0)
    dst_features = jnp.take(node_features, edge_index[1], axis=0)
    edge_features = jnp.concatenate([src_features, dst_features], axis=1)
    # MLP: Linear -> ReLU -> Dropout(eval: identity) -> Linear
    h = jnp.maximum(edge_features @ W1 + b1, 0.0)
    scores = h @ W2 + b2
    attention = jax.nn.softmax(scores, axis=1)
    edge_c = attention[:, 0]
    edge_t = attention[:, 1]
    return (edge_c, edge_t)

if __name__ == "__main__":
    import jax
    _d = setup_inputs()
    print(jax.jit(kernel)(*tuple(_d.values())))

</pallas_src>

<mosaic_0001>
#map = affine_map<(d0, d1) -> (0, 0)>
#map1 = affine_map<(d0, d1) -> (0)>
module attributes {stable_mosaic.version = 14 : i64} {
  func.func @_edge_body(%arg0: i32, %arg1: i32, %arg2: memref<10000x128xf32, #tpu.memory_space<hbm>>, %arg3: memref<10000x128xf32, #tpu.memory_space<hbm>>, %arg4: memref<320000xi32, #tpu.memory_space<hbm>>, %arg5: memref<320000xi32, #tpu.memory_space<hbm>>, %arg6: memref<144xf32, #tpu.memory_space<hbm>>, %arg7: memref<320000xf32, #tpu.memory_space<hbm>>, %arg8: memref<320000xf32, #tpu.memory_space<hbm>>, %arg9: memref<10000xi32, #tpu.memory_space<vmem>>, %arg10: memref<10000xi32, #tpu.memory_space<vmem>>, %arg11: memref<80x128xf32, #tpu.memory_space<vmem>>, %arg12: memref<80x128xf32, #tpu.memory_space<vmem>>, %arg13: memref<80x128xf32, #tpu.memory_space<vmem>>, %arg14: memref<80x128xf32, #tpu.memory_space<vmem>>, %arg15: memref<144xf32, #tpu.memory_space<vmem>>, %arg16: memref<10000xf32, #tpu.memory_space<vmem>>, %arg17: memref<10000xf32, #tpu.memory_space<vmem>>, %arg18: memref<!tpu.dma_semaphore, #tpu.memory_space<semaphore_mem>>, %arg19: memref<!tpu.dma_semaphore, #tpu.memory_space<semaphore_mem>>) attributes {dimension_semantics = [#tpu.dimension_semantics<core_parallel>, #tpu.dimension_semantics<subcore_parallel>], iteration_bounds = array<i64: 2, 16>, scalar_prefetch = 0 : i64, scratch_operands = 11 : i64, tpu.core_type = #tpu.core_type<sc_vector_subcore>, window_params = [{transform_indices = #map}, {transform_indices = #map}, {transform_indices = #map1}, {transform_indices = #map1}, {transform_indices = #map1}, {transform_indices = #map1}, {transform_indices = #map1}]} {
    %mul3A = arith.constant 2 : i32
    %mul3A_0 = arith.muli %arg1, %mul3A : i32
    %add3A = arith.addi %mul3A_0, %arg0 : i32
    %mul3A_1 = arith.constant 10000 : i32
    %mul3A_2 = arith.muli %add3A, %mul3A_1 : i32
    "tpu.region"() ({
      %run_scoped3A = tpu.sem_alloc : memref<!tpu.dma_semaphore, #tpu.memory_space<semaphore_mem>>
      tpu.enqueue_dma source(%arg6 : memref<144xf32, #tpu.memory_space<hbm>>) target(%arg15 : memref<144xf32, #tpu.memory_space<vmem>>) target_semaphore(%run_scoped3A : memref<!tpu.dma_semaphore, #tpu.memory_space<semaphore_mem>>)
      tpu.wait_dma2 semaphore(%run_scoped3A : memref<!tpu.dma_semaphore, #tpu.memory_space<semaphore_mem>>) src(%arg6 : memref<144xf32, #tpu.memory_space<hbm>>) dst(%arg15 : memref<144xf32, #tpu.memory_space<vmem>>)
      tpu.yield
    }) : () -> ()
    "tpu.region"() ({
      %run_scoped3A = tpu.sem_alloc : memref<!tpu.dma_semaphore, #tpu.memory_space<semaphore_mem>>
      %dma_start3A_148 = tpu.memref_slice %arg4[%mul3A_2] : memref<320000xi32, #tpu.memory_space<hbm>> -> memref<10000xi32, #tpu.memory_space<hbm>>
      %dma_start3A_149 = tpu.memref_slice %arg4[%mul3A_2] : memref<320000xi32, #tpu.memory_space<hbm>> -> memref<10000xi32, #tpu.memory_space<hbm>>
      tpu.enqueue_dma source(%dma_start3A_149 : memref<10000xi32, #tpu.memory_space<hbm>>) target(%arg9 : memref<10000xi32, #tpu.memory_space<vmem>>) target_semaphore(%run_scoped3A : memref<!tpu.dma_semaphore, #tpu.memory_space<semaphore_mem>>)
      %dma_wait3A_150 = tpu.memref_slice %arg4[%mul3A_2] : memref<320000xi32, #tpu.memory_space<hbm>> -> memref<10000xi32, #tpu.memory_space<hbm>>
      %dma_wait3A_151 = tpu.memref_slice %arg4[%mul3A_2] : memref<320000xi32, #tpu.memory_space<hbm>> -> memref<10000xi32, #tpu.memory_space<hbm>>
      tpu.wait_dma2 semaphore(%run_scoped3A : memref<!tpu.dma_semaphore, #tpu.memory_space<semaphore_mem>>) src(%dma_wait3A_151 : memref<10000xi32, #tpu.memory_space<hbm>>) dst(%arg9 : memref<10000xi32, #tpu.memory_space<vmem>>)
      tpu.yield
    }) : () -> ()
    "tpu.region"() ({
      %run_scoped3A = tpu.sem_alloc : memref<!tpu.dma_semaphore, #tpu.memory_space<semaphore_mem>>
      %dma_start3A_148 = tpu.memref_slice %arg5[%mul3A_2] : memref<320000xi32, #tpu.memory_space<hbm>> -> memref<10000xi32, #tpu.memory_space<hbm>>
      %dma_start3A_149 = tpu.memref_slice %arg5[%mul3A_2] : memref<320000xi32, #tpu.memory_space<hbm>> -> memref<10000xi32, #tpu.memory_space<hbm>>
      tpu.enqueue_dma source(%dma_start3A_149 : memref<10000xi32, #tpu.memory_space<hbm>>) target(%arg10 : memref<10000xi32, #tpu.memory_space<vmem>>) target_semaphore(%run_scoped3A : memref<!tpu.dma_semaphore, #tpu.memory_space<semaphore_mem>>)
      %dma_wait3A_150 = tpu.memref_slice %arg5[%mul3A_2] : memref<320000xi32, #tpu.memory_space<hbm>> -> memref<10000xi32, #tpu.memory_space<hbm>>
      %dma_wait3A_151 = tpu.memref_slice %arg5[%mul3A_2] : memref<320000xi32, #tpu.memory_space<hbm>> -> memref<10000xi32, #tpu.memory_space<hbm>>
      tpu.wait_dma2 semaphore(%run_scoped3A : memref<!tpu.dma_semaphore, #tpu.memory_space<semaphore_mem>>) src(%dma_wait3A_151 : memref<10000xi32, #tpu.memory_space<hbm>>) dst(%arg10 : memref<10000xi32, #tpu.memory_space<vmem>>)
      tpu.yield
    }) : () -> ()
    %get3A = arith.constant 128 : index
    %get3A_3 = tpu.vector_load %arg15[%get3A] {strides = array<i32>} : memref<144xf32, #tpu.memory_space<vmem>>, vector<16xf32>,
    %iota3A = tpu.iota {dimensions = array<i32: 0>} : vector<16xi32>
    %broadcast_in_dim3A = arith.constant 0 : i32
    %broadcast_in_dim3A_4 = vector.broadcast %broadcast_in_dim3A : i32 to vector<16xi32>
    %add3A_5 = arith.addi %broadcast_in_dim3A_4, %iota3A : vector<16xi32>
    %broadcast_in_dim3A_6 = arith.constant 16 : i32
    %broadcast_in_dim3A_7 = vector.broadcast %broadcast_in_dim3A_6 : i32 to vector<16xi32>
    %add3A_8 = arith.addi %broadcast_in_dim3A_7, %iota3A : vector<16xi32>
    %broadcast_in_dim3A_9 = arith.constant 32 : i32
    %broadcast_in_dim3A_10 = vector.broadcast %broadcast_in_dim3A_9 : i32 to vector<16xi32>
    %add3A_11 = arith.addi %broadcast_in_dim3A_10, %iota3A : vector<16xi32>
    %broadcast_in_dim3A_12 = arith.constant 48 : i32
    %broadcast_in_dim3A_13 = vector.broadcast %broadcast_in_dim3A_12 : i32 to vector<16xi32>
    %add3A_14 = arith.addi %broadcast_in_dim3A_13, %iota3A : vector<16xi32>
    %broadcast_in_dim3A_15 = arith.constant 64 : i32
    %broadcast_in_dim3A_16 = vector.broadcast %broadcast_in_dim3A_15 : i32 to vector<16xi32>
    %add3A_17 = arith.addi %broadcast_in_dim3A_16, %iota3A : vector<16xi32>
    %dma_start3A = arith.constant 0 : i32
    %dma_start3A_18 = tpu.memref_slice %arg9[%dma_start3A] : memref<10000xi32, #tpu.memory_space<vmem>> -> memref<80xi32, #tpu.memory_space<vmem>>
    %dma_start3A_19 = arith.constant 0 : i32
    %dma_start3A_20 = arith.constant 0 : i32
    %dma_start3A_21 = tpu.memref_slice %arg2[%dma_start3A_19, %dma_start3A_20] : memref<10000x128xf32, #tpu.memory_space<hbm>> -> memref<10000x128xf32, #tpu.memory_space<hbm>>
    tpu.enqueue_indirect_dma source(%dma_start3A_21 : memref<10000x128xf32, #tpu.memory_space<hbm>>) target(%arg11 : memref<80x128xf32, #tpu.memory_space<vmem>>) offsets(%dma_start3A_18 : memref<80xi32, #tpu.memory_space<vmem>>) semaphore(%arg18 : memref<!tpu.dma_semaphore, #tpu.memory_space<semaphore_mem>>)
    %dma_start3A_22 = arith.constant 0 : i32
    %dma_start3A_23 = tpu.memref_slice %arg10[%dma_start3A_22] : memref<10000xi32, #tpu.memory_space<vmem>> -> memref<80xi32, #tpu.memory_space<vmem>>
    %dma_start3A_24 = arith.constant 0 : i32
    %dma_start3A_25 = arith.constant 0 : i32
    %dma_start3A_26 = tpu.memref_slice %arg3[%dma_start3A_24, %dma_start3A_25] : memref<10000x128xf32, #tpu.memory_space<hbm>> -> memref<10000x128xf32, #tpu.memory_space<hbm>>
    tpu.enqueue_indirect_dma source(%dma_start3A_26 : memref<10000x128xf32, #tpu.memory_space<hbm>>) target(%arg12 : memref<80x128xf32, #tpu.memory_space<vmem>>) offsets(%dma_start3A_23 : memref<80xi32, #tpu.memory_space<vmem>>) semaphore(%arg18 : memref<!tpu.dma_semaphore, #tpu.memory_space<semaphore_mem>>)
    %scan3A = arith.constant 0 : i32
    %scan3A_27 = arith.constant 0 : i32
    %scan3A_28 = arith.constant 62 : i32
    %scan3A_29 = arith.addi %scan3A_27, %scan3A_28 : i32
    %scan3A_30 = arith.constant 1 : i32
    scf.for %scan3A_148 = %scan3A_27 to %scan3A_29 step %scan3A_30  : i32 {
      %mul3A_149 = arith.constant 2 : i32
      %mul3A_150 = arith.muli %mul3A_149, %scan3A_148 : i32
      %add3A_151 = arith.constant 1 : i32
      %add3A_152 = arith.addi %mul3A_150, %add3A_151 : i32
      %mul3A_153 = arith.constant 80 : i32
      %mul3A_154 = arith.muli %add3A_152, %mul3A_153 : i32
      %dma_start3A_155 = tpu.memref_slice %arg9[%mul3A_154] : memref<10000xi32, #tpu.memory_space<vmem>> -> memref<80xi32, #tpu.memory_space<vmem>>
      %dma_start3A_156 = arith.constant 0 : i32
      %dma_start3A_157 = arith.constant 0 : i32
      %dma_start3A_158 = tpu.memref_slice %arg2[%dma_start3A_156, %dma_start3A_157] : memref<10000x128xf32, #tpu.memory_space<hbm>> -> memref<10000x128xf32, #tpu.memory_space<hbm>>
      tpu.enqueue_indirect_dma source(%dma_start3A_158 : memref<10000x128xf32, #tpu.memory_space<hbm>>) target(%arg13 : memref<80x128xf32, #tpu.memory_space<vmem>>) offsets(%dma_start3A_155 : memref<80xi32, #tpu.memory_space<vmem>>) semaphore(%arg19 : memref<!tpu.dma_semaphore, #tpu.memory_space<semaphore_mem>>)
      %dma_start3A_159 = tpu.memref_slice %arg10[%mul3A_154] : memref<10000xi32, #tpu.memory_space<vmem>> -> memref<80xi32, #tpu.memory_space<vmem>>
      %dma_start3A_160 = arith.constant 0 : i32
      %dma_start3A_161 = arith.constant 0 : i32
      %dma_start3A_162 = tpu.memref_slice %arg3[%dma_start3A_160, %dma_start3A_161] : memref<10000x128xf32, #tpu.memory_space<hbm>> -> memref<10000x128xf32, #tpu.memory_space<hbm>>
      tpu.enqueue_indirect_dma source(%dma_start3A_162 : memref<10000x128xf32, #tpu.memory_space<hbm>>) target(%arg14 : memref<80x128xf32, #tpu.memory_space<vmem>>) offsets(%dma_start3A_159 : memref<80xi32, #tpu.memory_space<vmem>>) semaphore(%arg19 : memref<!tpu.dma_semaphore, #tpu.memory_space<semaphore_mem>>)
      %dma_wait3A_163 = arith.constant 0 : i32
      %dma_wait3A_164 = tpu.memref_slice %arg9[%dma_wait3A_163] : memref<10000xi32, #tpu.memory_space<vmem>> -> memref<80xi32, #tpu.memory_space<vmem>>
      %dma_wait3A_165 = arith.constant 0 : i32
      %dma_wait3A_166 = arith.constant 0 : i32
      %dma_wait3A_167 = tpu.memref_slice %arg2[%dma_wait3A_165, %dma_wait3A_166] : memref<10000x128xf32, #tpu.memory_space<hbm>> -> memref<10000x128xf32, #tpu.memory_space<hbm>>
      tpu.wait_indirect_dma semaphore(%arg18 : memref<!tpu.dma_semaphore, #tpu.memory_space<semaphore_mem>>) src(%dma_wait3A_167 : memref<10000x128xf32, #tpu.memory_space<hbm>>) dst(%arg11 : memref<80x128xf32, #tpu.memory_space<vmem>>)
      %dma_wait3A_168 = arith.constant 0 : i32
      %dma_wait3A_169 = tpu.memref_slice %arg10[%dma_wait3A_168] : memref<10000xi32, #tpu.memory_space<vmem>> -> memref<80xi32, #tpu.memory_space<vmem>>
      %dma_wait3A_170 = arith.constant 0 : i32
      %dma_wait3A_171 = arith.constant 0 : i32
      %dma_wait3A_172 = tpu.memref_slice %arg3[%dma_wait3A_170, %dma_wait3A_171] : memref<10000x128xf32, #tpu.memory_space<hbm>> -> memref<10000x128xf32, #tpu.memory_space<hbm>>
      tpu.wait_indirect_dma semaphore(%arg18 : memref<!tpu.dma_semaphore, #tpu.memory_space<semaphore_mem>>) src(%dma_wait3A_172 : memref<10000x128xf32, #tpu.memory_space<hbm>>) dst(%arg12 : memref<80x128xf32, #tpu.memory_space<vmem>>)
      %scan3A_173 = arith.constant 0 : i32
      %scan3A_174 = arith.constant 128 : i32
      %scan3A_175 = arith.addi %scan3A_173, %scan3A_174 : i32
      %scan3A_176 = arith.constant 2 : i32
      %scan3A_177:5 = scf.for %scan3A_463 = %scan3A_173 to %scan3A_175 step %scan3A_176 iter_args(%scan3A_464 = %get3A_3, %scan3A_465 = %get3A_3, %scan3A_466 = %get3A_3, %scan3A_467 = %get3A_3, %scan3A_468 = %get3A_3) -> (vector<16xf32>, vector<16xf32>, vector<16xf32>, vector<16xf32>, vector<16xf32>)  : i32 {
        %add3A_469 = vector.broadcast %scan3A_463 : i32 to vector<16xi32>
        %add3A_470 = arith.addi %iota3A, %add3A_469 : vector<16xi32>
        %and3A = arith.constant 127 : i32
        %and3A_471 = vector.broadcast %and3A : i32 to vector<16xi32>
        %and3A_472 = arith.andi %add3A_470, %and3A_471 : vector<16xi32>
        %gather3A = tpu.vector_load_idx %arg15[%and3A_472] : memref<144xf32, #tpu.memory_space<vmem>>[vector<16xi32>], vector<16xf32>,
        %gather3A_473 = tpu.vector_load_idx %arg11[%add3A_5, %and3A_472] : memref<80x128xf32, #tpu.memory_space<vmem>>[vector<16xi32>, vector<16xi32>], vector<16xf32>,
        %gather3A_474 = tpu.vector_load_idx %arg12[%add3A_5, %and3A_472] : memref<80x128xf32, #tpu.memory_space<vmem>>[vector<16xi32>, vector<16xi32>], vector<16xf32>,
        %add3A_475 = arith.addf %gather3A_473, %gather3A_474 : vector<16xf32>
        %max3A = arith.constant 0.000000e+00 : f32
        %max3A_476 = vector.broadcast %max3A : f32 to vector<16xf32>
        %max3A_477 = arith.maximumf %add3A_475, %max3A_476 : vector<16xf32>
        %mul3A_478 = arith.mulf %max3A_477, %gather3A : vector<16xf32>
        %add3A_479 = arith.addf %scan3A_464, %mul3A_478 : vector<16xf32>
        %gather3A_480 = tpu.vector_load_idx %arg11[%add3A_8, %and3A_472] : memref<80x128xf32, #tpu.memory_space<vmem>>[vector<16xi32>, vector<16xi32>], vector<16xf32>,
        %gather3A_481 = tpu.vector_load_idx %arg12[%add3A_8, %and3A_472] : memref<80x128xf32, #tpu.memory_space<vmem>>[vector<16xi32>, vector<16xi32>], vector<16xf32>,
        %add3A_482 = arith.addf %gather3A_480, %gather3A_481 : vector<16xf32>
        %max3A_483 = arith.constant 0.000000e+00 : f32
        %max3A_484 = vector.broadcast %max3A_483 : f32 to vector<16xf32>
        %max3A_485 = arith.maximumf %add3A_482, %max3A_484 : vector<16xf32>
        %mul3A_486 = arith.mulf %max3A_485, %gather3A : vector<16xf32>
        %add3A_487 = arith.addf %scan3A_465, %mul3A_486 : vector<16xf32>
        %gather3A_488 = tpu.vector_load_idx %arg11[%add3A_11, %and3A_472] : memref<80x128xf32, #tpu.memory_space<vmem>>[vector<16xi32>, vector<16xi32>], vector<16xf32>,
        %gather3A_489 = tpu.vector_load_idx %arg12[%add3A_11, %and3A_472] : memref<80x128xf32, #tpu.memory_space<vmem>>[vector<16xi32>, vector<16xi32>], vector<16xf32>,
        %add3A_490 = arith.addf %gather3A_488, %gather3A_489 : vector<16xf32>
        %max3A_491 = arith.constant 0.000000e+00 : f32
        %max3A_492 = vector.broadcast %max3A_491 : f32 to vector<16xf32>
        %max3A_493 = arith.maximumf %add3A_490, %max3A_492 : vector<16xf32>
        %mul3A_494 = arith.mulf %max3A_493, %gather3A : vector<16xf32>
        %add3A_495 = arith.addf %scan3A_466, %mul3A_494 : vector<16xf32>
        %gather3A_496 = tpu.vector_load_idx %arg11[%add3A_14, %and3A_472] : memref<80x128xf32, #tpu.memory_space<vmem>>[vector<16xi32>, vector<16xi32>], vector<16xf32>,
        %gather3A_497 = tpu.vector_load_idx %arg12[%add3A_14, %and3A_472] : memref<80x128xf32, #tpu.memory_space<vmem>>[vector<16xi32>, vector<16xi32>], vector<16xf32>,
        %add3A_498 = arith.addf %gather3A_496, %gather3A_497 : vector<16xf32>
        %max3A_499 = arith.constant 0.000000e+00 : f32
        %max3A_500 = vector.broadcast %max3A_499 : f32 to vector<16xf32>
        %max3A_501 = arith.maximumf %add3A_498, %max3A_500 : vector<16xf32>
        %mul3A_502 = arith.mulf %max3A_501, %gather3A : vector<16xf32>
        %add3A_503 = arith.addf %scan3A_467, %mul3A_502 : vector<16xf32>
        %gather3A_504 = tpu.vector_load_idx %arg11[%add3A_17, %and3A_472] : memref<80x128xf32, #tpu.memory_space<vmem>>[vector<16xi32>, vector<16xi32>], vector<16xf32>,
        %gather3A_505 = tpu.vector_load_idx %arg12[%add3A_17, %and3A_472] : memref<80x128xf32, #tpu.memory_space<vmem>>[vector<16xi32>, vector<16xi32>], vector<16xf32>,
        %add3A_506 = arith.addf %gather3A_504, %gather3A_505 : vector<16xf32>
        %max3A_507 = arith.constant 0.000000e+00 : f32
        %max3A_508 = vector.broadcast %max3A_507 : f32 to vector<16xf32>
        %max3A_509 = arith.maximumf %add3A_506, %max3A_508 : vector<16xf32>
        %mul3A_510 = arith.mulf %max3A_509, %gather3A : vector<16xf32>
        %add3A_511 = arith.addf %scan3A_468, %mul3A_510 : vector<16xf32>
        %scan3A_512 = arith.constant 1 : i32
        %scan3A_513 = arith.addi %scan3A_463, %scan3A_512 : i32
        %add3A_514 = vector.broadcast %scan3A_513 : i32 to vector<16xi32>
        %add3A_515 = arith.addi %iota3A, %add3A_514 : vector<16xi32>
        %and3A_516 = arith.constant 127 : i32
        %and3A_517 = vector.broadcast %and3A_516 : i32 to vector<16xi32>
        %and3A_518 = arith.andi %add3A_515, %and3A_517 : vector<16xi32>
        %gather3A_519 = tpu.vector_load_idx %arg15[%and3A_518] : memref<144xf32, #tpu.memory_space<vmem>>[vector<16xi32>], vector<16xf32>,
        %gather3A_520 = tpu.vector_load_idx %arg11[%add3A_5, %and3A_518] : memref<80x128xf32, #tpu.memory_space<vmem>>[vector<16xi32>, vector<16xi32>], vector<16xf32>,
        %gather3A_521 = tpu.vector_load_idx %arg12[%add3A_5, %and3A_518] : memref<80x128xf32, #tpu.memory_space<vmem>>[vector<16xi32>, vector<16xi32>], vector<16xf32>,
        %add3A_522 = arith.addf %gather3A_520, %gather3A_521 : vector<16xf32>
        %max3A_523 = arith.constant 0.000000e+00 : f32
        %max3A_524 = vector.broadcast %max3A_523 : f32 to vector<16xf32>
        %max3A_525 = arith.maximumf %add3A_522, %max3A_524 : vector<16xf32>
        %mul3A_526 = arith.mulf %max3A_525, %gather3A_519 : vector<16xf32>
        %add3A_527 = arith.addf %add3A_479, %mul3A_526 : vector<16xf32>
        %gather3A_528 = tpu.vector_load_idx %arg11[%add3A_8, %and3A_518] : memref<80x128xf32, #tpu.memory_space<vmem>>[vector<16xi32>, vector<16xi32>], vector<16xf32>,
        %gather3A_529 = tpu.vector_load_idx %arg12[%add3A_8, %and3A_518] : memref<80x128xf32, #tpu.memory_space<vmem>>[vector<16xi32>, vector<16xi32>], vector<16xf32>,
        %add3A_530 = arith.addf %gather3A_528, %gather3A_529 : vector<16xf32>
        %max3A_531 = arith.constant 0.000000e+00 : f32
        %max3A_532 = vector.broadcast %max3A_531 : f32 to vector<16xf32>
        %max3A_533 = arith.maximumf %add3A_530, %max3A_532 : vector<16xf32>
        %mul3A_534 = arith.mulf %max3A_533, %gather3A_519 : vector<16xf32>
        %add3A_535 = arith.addf %add3A_487, %mul3A_534 : vector<16xf32>
        %gather3A_536 = tpu.vector_load_idx %arg11[%add3A_11, %and3A_518] : memref<80x128xf32, #tpu.memory_space<vmem>>[vector<16xi32>, vector<16xi32>], vector<16xf32>,
        %gather3A_537 = tpu.vector_load_idx %arg12[%add3A_11, %and3A_518] : memref<80x128xf32, #tpu.memory_space<vmem>>[vector<16xi32>, vector<16xi32>], vector<16xf32>,
        %add3A_538 = arith.addf %gather3A_536, %gather3A_537 : vector<16xf32>
        %max3A_539 = arith.constant 0.000000e+00 : f32
        %max3A_540 = vector.broadcast %max3A_539 : f32 to vector<16xf32>
        %max3A_541 = arith.maximumf %add3A_538, %max3A_540 : vector<16xf32>
        %mul3A_542 = arith.mulf %max3A_541, %gather3A_519 : vector<16xf32>
        %add3A_543 = arith.addf %add3A_495, %mul3A_542 : vector<16xf32>
        %gather3A_544 = tpu.vector_load_idx %arg11[%add3A_14, %and3A_518] : memref<80x128xf32, #tpu.memory_space<vmem>>[vector<16xi32>, vector<16xi32>], vector<16xf32>,
        %gather3A_545 = tpu.vector_load_idx %arg12[%add3A_14, %and3A_518] : memref<80x128xf32, #tpu.memory_space<vmem>>[vector<16xi32>, vector<16xi32>], vector<16xf32>,
        %add3A_546 = arith.addf %gather3A_544, %gather3A_545 : vector<16xf32>
        %max3A_547 = arith.constant 0.000000e+00 : f32
        %max3A_548 = vector.broadcast %max3A_547 : f32 to vector<16xf32>
        %max3A_549 = arith.maximumf %add3A_546, %max3A_548 : vector<16xf32>
        %mul3A_550 = arith.mulf %max3A_549, %gather3A_519 : vector<16xf32>
        %add3A_551 = arith.addf %add3A_503, %mul3A_550 : vector<16xf32>
        %gather3A_552 = tpu.vector_load_idx %arg11[%add3A_17, %and3A_518] : memref<80x128xf32, #tpu.memory_space<vmem>>[vector<16xi32>, vector<16xi32>], vector<16xf32>,
        %gather3A_553 = tpu.vector_load_idx %arg12[%add3A_17, %and3A_518] : memref<80x128xf32, #tpu.memory_space<vmem>>[vector<16xi32>, vector<16xi32>], vector<16xf32>,
        %add3A_554 = arith.addf %gather3A_552, %gather3A_553 : vector<16xf32>
        %max3A_555 = arith.constant 0.000000e+00 : f32
        %max3A_556 = vector.broadcast %max3A_555 : f32 to vector<16xf32>
        %max3A_557 = arith.maximumf %add3A_554, %max3A_556 : vector<16xf32>
        %mul3A_558 = arith.mulf %max3A_557, %gather3A_519 : vector<16xf32>
        %add3A_559 = arith.addf %add3A_511, %mul3A_558 : vector<16xf32>
        scf.yield %add3A_527, %add3A_535, %add3A_543, %add3A_551, %add3A_559 : vector<16xf32>, vector<16xf32>, vector<16xf32>, vector<16xf32>, vector<16xf32>
      }
      %scan3A_178 = arith.constant 128 : i32
      %mul3A_179 = arith.constant 80 : i32
      %mul3A_180 = arith.muli %mul3A_150, %mul3A_179 : i32
      %neg3A_181 = arith.constant 0.000000e+00 : f32
      %neg3A_182 = vector.broadcast %neg3A_181 : f32 to vector<16xf32>
      %neg3A_183 = arith.subf %neg3A_182, %scan3A_177#0 : vector<16xf32>
      %exp3A_184 = math.exp %neg3A_183 : vector<16xf32>
      %add3A_185 = arith.constant 1.000000e+00 : f32
      %add3A_186 = vector.broadcast %add3A_185 : f32 to vector<16xf32>
      %add3A_187 = arith.addf %add3A_186, %exp3A_184 : vector<16xf32>
      %div3A_188 = arith.constant 1.000000e+00 : f32
      %div3A_189 = vector.broadcast %div3A_188 : f32 to vector<16xf32>
      %div3A_190 = arith.divf %div3A_189, %add3A_187 : vector<16xf32>
      %add3A_191 = arith.constant 0 : i32
      %add3A_192 = arith.addi %mul3A_180, %add3A_191 : i32
      %swap3A_193 = arith.index_cast %add3A_192 : i32 to index
      %swap3A_194 = tpu.vector_load %arg16[%swap3A_193] {strides = array<i32>} : memref<10000xf32, #tpu.memory_space<vmem>>, vector<16xf32>,
      tpu.vector_store %arg16[%swap3A_193], %div3A_190 {strides = array<i32>} : memref<10000xf32, #tpu.memory_space<vmem>>, vector<16xf32>,
      %exp3A_195 = math.exp %scan3A_177#0 : vector<16xf32>
      %add3A_196 = arith.constant 1.000000e+00 : f32
      %add3A_197 = vector.broadcast %add3A_196 : f32 to vector<16xf32>
      %add3A_198 = arith.addf %add3A_197, %exp3A_195 : vector<16xf32>
      %div3A_199 = arith.constant 1.000000e+00 : f32
      %div3A_200 = vector.broadcast %div3A_199 : f32 to vector<16xf32>
      %div3A_201 = arith.divf %div3A_200, %add3A_198 : vector<16xf32>
      %add3A_202 = arith.constant 0 : i32
      %add3A_203 = arith.addi %mul3A_180, %add3A_202 : i32
      %swap3A_204 = arith.index_cast %add3A_203 : i32 to index
      %swap3A_205 = tpu.vector_load %arg17[%swap3A_204] {strides = array<i32>} : memref<10000xf32, #tpu.memory_space<vmem>>, vector<16xf32>,
      tpu.vector_store %arg17[%swap3A_204], %div3A_201 {strides = array<i32>} : memref<10000xf32, #tpu.memory_space<vmem>>, vector<16xf32>,
      %neg3A_206 = arith.constant 0.000000e+00 : f32
      %neg3A_207 = vector.broadcast %neg3A_206 : f32 to vector<16xf32>
      %neg3A_208 = arith.subf %neg3A_207, %scan3A_177#1 : vector<16xf32>
      %exp3A_209 = math.exp %neg3A_208 : vector<16xf32>
      %add3A_210 = arith.constant 1.000000e+00 : f32
      %add3A_211 = vector.broadcast %add3A_210 : f32 to vector<16xf32>
      %add3A_212 = arith.addf %add3A_211, %exp3A_209 : vector<16xf32>
      %div3A_213 = arith.constant 1.000000e+00 : f32
      %div3A_214 = vector.broadcast %div3A_213 : f32 to vector<16xf32>
      %div3A_215 = arith.divf %div3A_214, %add3A_212 : vector<16xf32>
      %add3A_216 = arith.constant 16 : i32
      %add3A_217 = arith.addi %mul3A_180, %add3A_216 : i32
      %swap3A_218 = arith.index_cast %add3A_217 : i32 to index
      %swap3A_219 = tpu.vector_load %arg16[%swap3A_218] {strides = array<i32>} : memref<10000xf32, #tpu.memory_space<vmem>>, vector<16xf32>,
      tpu.vector_store %arg16[%swap3A_218], %div3A_215 {strides = array<i32>} : memref<10000xf32, #tpu.memory_space<vmem>>, vector<16xf32>,
      %exp3A_220 = math.exp %scan3A_177#1 : vector<16xf32>
      %add3A_221 = arith.constant 1.000000e+00 : f32
      %add3A_222 = vector.broadcast %add3A_221 : f32 to vector<16xf32>
      %add3A_223 = arith.addf %add3A_222, %exp3A_220 : vector<16xf32>
      %div3A_224 = arith.constant 1.000000e+00 : f32
      %div3A_225 = vector.broadcast %div3A_224 : f32 to vector<16xf32>
      %div3A_226 = arith.divf %div3A_225, %add3A_223 : vector<16xf32>
      %add3A_227 = arith.constant 16 : i32
      %add3A_228 = arith.addi %mul3A_180, %add3A_227 : i32
      %swap3A_229 = arith.index_cast %add3A_228 : i32 to index
      %swap3A_230 = tpu.vector_load %arg17[%swap3A_229] {strides = array<i32>} : memref<10000xf32, #tpu.memory_space<vmem>>, vector<16xf32>,
      tpu.vector_store %arg17[%swap3A_229], %div3A_226 {strides = array<i32>} : memref<10000xf32, #tpu.memory_space<vmem>>, vector<16xf32>,
      %neg3A_231 = arith.constant 0.000000e+00 : f32
      %neg3A_232 = vector.broadcast %neg3A_231 : f32 to vector<16xf32>
      %neg3A_233 = arith.subf %neg3A_232, %scan3A_177#2 : vector<16xf32>
      %exp3A_234 = math.exp %neg3A_233 : vector<16xf32>
      %add3A_235 = arith.constant 1.000000e+00 : f32
      %add3A_236 = vector.broadcast %add3A_235 : f32 to vector<16xf32>
      %add3A_237 = arith.addf %add3A_236, %exp3A_234 : vector<16xf32>
      %div3A_238 = arith.constant 1.000000e+00 : f32
      %div3A_239 = vector.broadcast %div3A_238 : f32 to vector<16xf32>
      %div3A_240 = arith.divf %div3A_239, %add3A_237 : vector<16xf32>
      %add3A_241 = arith.constant 32 : i32
      %add3A_242 = arith.addi %mul3A_180, %add3A_241 : i32
      %swap3A_243 = arith.index_cast %add3A_242 : i32 to index
      %swap3A_244 = tpu.vector_load %arg16[%swap3A_243] {strides = array<i32>} : memref<10000xf32, #tpu.memory_space<vmem>>, vector<16xf32>,
      tpu.vector_store %arg16[%swap3A_243], %div3A_240 {strides = array<i32>} : memref<10000xf32, #tpu.memory_space<vmem>>, vector<16xf32>,
      %exp3A_245 = math.exp %scan3A_177#2 : vector<16xf32>
      %add3A_246 = arith.constant 1.000000e+00 : f32
      %add3A_247 = vector.broadcast %add3A_246 : f32 to vector<16xf32>
      %add3A_248 = arith.addf %add3A_247, %exp3A_245 : vector<16xf32>
      %div3A_249 = arith.constant 1.000000e+00 : f32
      %div3A_250 = vector.broadcast %div3A_249 : f32 to vector<16xf32>
      %div3A_251 = arith.divf %div3A_250, %add3A_248 : vector<16xf32>
      %add3A_252 = arith.constant 32 : i32
      %add3A_253 = arith.addi %mul3A_180, %add3A_252 : i32
      %swap3A_254 = arith.index_cast %add3A_253 : i32 to index
      %swap3A_255 = tpu.vector_load %arg17[%swap3A_254] {strides = array<i32>} : memref<10000xf32, #tpu.memory_space<vmem>>, vector<16xf32>,
      tpu.vector_store %arg17[%swap3A_254], %div3A_251 {strides = array<i32>} : memref<10000xf32, #tpu.memory_space<vmem>>, vector<16xf32>,
      %neg3A_256 = arith.constant 0.000000e+00 : f32
      %neg3A_257 = vector.broadcast %neg3A_256 : f32 to vector<16xf32>
      %neg3A_258 = arith.subf %neg3A_257, %scan3A_177#3 : vector<16xf32>
      %exp3A_259 = math.exp %neg3A_258 : vector<16xf32>
      %add3A_260 = arith.constant 1.000000e+00 : f32
      %add3A_261 = vector.broadcast %add3A_260 : f32 to vector<16xf32>
      %add3A_262 = arith.addf %add3A_261, %exp3A_259 : vector<16xf32>
      %div3A_263 = arith.constant 1.000000e+00 : f32
      %div3A_264 = vector.broadcast %div3A_263 : f32 to vector<16xf32>
      %div3A_265 = arith.divf %div3A_264, %add3A_262 : vector<16xf32>
      %add3A_266 = arith.constant 48 : i32
      %add3A_267 = arith.addi %mul3A_180, %add3A_266 : i32
      %swap3A_268 = arith.index_cast %add3A_267 : i32 to index
      %swap3A_269 = tpu.vector_load %arg16[%swap3A_268] {strides = array<i32>} : memref<10000xf32, #tpu.memory_space<vmem>>, vector<16xf32>,
      tpu.vector_store %arg16[%swap3A_268], %div3A_265 {strides = array<i32>} : memref<10000xf32, #tpu.memory_space<vmem>>, vector<16xf32>,
      %exp3A_270 = math.exp %scan3A_177#3 : vector<16xf32>
      %add3A_271 = arith.constant 1.000000e+00 : f32
      %add3A_272 = vector.broadcast %add3A_271 : f32 to vector<16xf32>
      %add3A_273 = arith.addf %add3A_272, %exp3A_270 : vector<16xf32>
      %div3A_274 = arith.constant 1.000000e+00 : f32
      %div3A_275 = vector.broadcast %div3A_274 : f32 to vector<16xf32>
      %div3A_276 = arith.divf %div3A_275, %add3A_273 : vector<16xf32>
      %add3A_277 = arith.constant 48 : i32
      %add3A_278 = arith.addi %mul3A_180, %add3A_277 : i32
      %swap3A_279 = arith.index_cast %add3A_278 : i32 to index
      %swap3A_280 = tpu.vector_load %arg17[%swap3A_279] {strides = array<i32>} : memref<10000xf32, #tpu.memory_space<vmem>>, vector<16xf32>,
      tpu.vector_store %arg17[%swap3A_279], %div3A_276 {strides = array<i32>} : memref<10000xf32, #tpu.memory_space<vmem>>, vector<16xf32>,
      %neg3A_281 = arith.constant 0.000000e+00 : f32
      %neg3A_282 = vector.broadcast %neg3A_281 : f32 to vector<16xf32>
      %neg3A_283 = arith.subf %neg3A_282, %scan3A_177#4 : vector<16xf32>
      %exp3A_284 = math.exp %neg3A_283 : vector<16xf32>
      %add3A_285 = arith.constant 1.000000e+00 : f32
      %add3A_286 = vector.broadcast %add3A_285 : f32 to vector<16xf32>
      %add3A_287 = arith.addf %add3A_286, %exp3A_284 : vector<16xf32>
      %div3A_288 = arith.constant 1.000000e+00 : f32
      %div3A_289 = vector.broadcast %div3A_288 : f32 to vector<16xf32>
      %div3A_290 = arith.divf %div3A_289, %add3A_287 : vector<16xf32>
      %add3A_291 = arith.constant 64 : i32
      %add3A_292 = arith.addi %mul3A_180, %add3A_291 : i32
      %swap3A_293 = arith.index_cast %add3A_292 : i32 to index
      %swap3A_294 = tpu.vector_load %arg16[%swap3A_293] {strides = array<i32>} : memref<10000xf32, #tpu.memory_space<vmem>>, vector<16xf32>,
      tpu.vector_store %arg16[%swap3A_293], %div3A_290 {strides = array<i32>} : memref<10000xf32, #tpu.memory_space<vmem>>, vector<16xf32>,
      %exp3A_295 = math.exp %scan3A_177#4 : vector<16xf32>
      %add3A_296 = arith.constant 1.000000e+00 : f32
      %add3A_297 = vector.broadcast %add3A_296 : f32 to vector<16xf32>
      %add3A_298 = arith.addf %add3A_297, %exp3A_295 : vector<16xf32>
      %div3A_299 = arith.constant 1.000000e+00 : f32
      %div3A_300 = vector.broadcast %div3A_299 : f32 to vector<16xf32>
      %div3A_301 = arith.divf %div3A_300, %add3A_298 : vector<16xf32>
      %add3A_302 = arith.constant 64 : i32
      %add3A_303 = arith.addi %mul3A_180, %add3A_302 : i32
      %swap3A_304 = arith.index_cast %add3A_303 : i32 to index
      %swap3A_305 = tpu.vector_load %arg17[%swap3A_304] {strides = array<i32>} : memref<10000xf32, #tpu.memory_space<vmem>>, vector<16xf32>,
      tpu.vector_store %arg17[%swap3A_304], %div3A_301 {strides = array<i32>} : memref<10000xf32, #tpu.memory_space<vmem>>, vector<16xf32>,
      %add3A_306 = arith.constant 2 : i32
      %add3A_307 = arith.addi %mul3A_150, %add3A_306 : i32
      %mul3A_308 = arith.constant 80 : i32
      %mul3A_309 = arith.muli %add3A_307, %mul3A_308 : i32
      %dma_start3A_310 = tpu.memref_slice %arg9[%mul3A_309] : memref<10000xi32, #tpu.memory_space<vmem>> -> memref<80xi32, #tpu.memory_space<vmem>>
      %dma_start3A_311 = arith.constant 0 : i32
      %dma_start3A_312 = arith.constant 0 : i32
      %dma_start3A_313 = tpu.memref_slice %arg2[%dma_start3A_311, %dma_start3A_312] : memref<10000x128xf32, #tpu.memory_space<hbm>> -> memref<10000x128xf32, #tpu.memory_space<hbm>>
      tpu.enqueue_indirect_dma source(%dma_start3A_313 : memref<10000x128xf32, #tpu.memory_space<hbm>>) target(%arg11 : memref<80x128xf32, #tpu.memory_space<vmem>>) offsets(%dma_start3A_310 : memref<80xi32, #tpu.memory_space<vmem>>) semaphore(%arg18 : memref<!tpu.dma_semaphore, #tpu.memory_space<semaphore_mem>>)
      %dma_start3A_314 = tpu.memref_slice %arg10[%mul3A_309] : memref<10000xi32, #tpu.memory_space<vmem>> -> memref<80xi32, #tpu.memory_space<vmem>>
      %dma_start3A_315 = arith.constant 0 : i32
      %dma_start3A_316 = arith.constant 0 : i32
      %dma_start3A_317 = tpu.memref_slice %arg3[%dma_start3A_315, %dma_start3A_316] : memref<10000x128xf32, #tpu.memory_space<hbm>> -> memref<10000x128xf32, #tpu.memory_space<hbm>>
      tpu.enqueue_indirect_dma source(%dma_start3A_317 : memref<10000x128xf32, #tpu.memory_space<hbm>>) target(%arg12 : memref<80x128xf32, #tpu.memory_space<vmem>>) offsets(%dma_start3A_314 : memref<80xi32, #tpu.memory_space<vmem>>) semaphore(%arg18 : memref<!tpu.dma_semaphore, #tpu.memory_space<semaphore_mem>>)
      %dma_wait3A_318 = arith.constant 0 : i32
      %dma_wait3A_319 = tpu.memref_slice %arg9[%dma_wait3A_318] : memref<10000xi32, #tpu.memory_space<vmem>> -> memref<80xi32, #tpu.memory_space<vmem>>
      %dma_wait3A_320 = arith.constant 0 : i32
      %dma_wait3A_321 = arith.constant 0 : i32
      %dma_wait3A_322 = tpu.memref_slice %arg2[%dma_wait3A_320, %dma_wait3A_321] : memref<10000x128xf32, #tpu.memory_space<hbm>> -> memref<10000x128xf32, #tpu.memory_space<hbm>>
      tpu.wait_indirect_dma semaphore(%arg19 : memref<!tpu.dma_semaphore, #tpu.memory_space<semaphore_mem>>) src(%dma_wait3A_322 : memref<10000x128xf32, #tpu.memory_space<hbm>>) dst(%arg13 : memref<80x128xf32, #tpu.memory_space<vmem>>)
      %dma_wait3A_323 = arith.constant 0 : i32
      %dma_wait3A_324 = tpu.memref_slice %arg10[%dma_wait3A_323] : memref<10000xi32, #tpu.memory_space<vmem>> -> memref<80xi32, #tpu.memory_space<vmem>>
      %dma_wait3A_325 = arith.constant 0 : i32
      %dma_wait3A_326 = arith.constant 0 : i32
      %dma_wait3A_327 = tpu.memref_slice %arg3[%dma_wait3A_325, %dma_wait3A_326] : memref<10000x128xf32, #tpu.memory_space<hbm>> -> memref<10000x128xf32, #tpu.memory_space<hbm>>
      tpu.wait_indirect_dma semaphore(%arg19 : memref<!tpu.dma_semaphore, #tpu.memory_space<semaphore_mem>>) src(%dma_wait3A_327 : memref<10000x128xf32, #tpu.memory_space<hbm>>) dst(%arg14 : memref<80x128xf32, #tpu.memory_space<vmem>>)
      %add3A_328 = arith.constant 1 : i32
      %add3A_329 = arith.addi %mul3A_150, %add3A_328 : i32
      %scan3A_330 = arith.constant 0 : i32
      %scan3A_331 = arith.constant 128 : i32
      %scan3A_332 = arith.addi %scan3A_330, %scan3A_331 : i32
      %scan3A_333 = arith.constant 2 : i32
      %scan3A_334:5 = scf.for %scan3A_463 = %scan3A_330 to %scan3A_332 step %scan3A_333 iter_args(%scan3A_464 = %get3A_3, %scan3A_465 = %get3A_3, %scan3A_466 = %get3A_3, %scan3A_467 = %get3A_3, %scan3A_468 = %get3A_3) -> (vector<16xf32>, vector<16xf32>, vector<16xf32>, vector<16xf32>, vector<16xf32>)  : i32 {
        %add3A_469 = vector.broadcast %scan3A_463 : i32 to vector<16xi32>
        %add3A_470 = arith.addi %iota3A, %add3A_469 : vector<16xi32>
        %and3A = arith.constant 127 : i32
        %and3A_471 = vector.broadcast %and3A : i32 to vector<16xi32>
        %and3A_472 = arith.andi %add3A_470, %and3A_471 : vector<16xi32>
        %gather3A = tpu.vector_load_idx %arg15[%and3A_472] : memref<144xf32, #tpu.memory_space<vmem>>[vector<16xi32>], vector<16xf32>,
        %gather3A_473 = tpu.vector_load_idx %arg13[%add3A_5, %and3A_472] : memref<80x128xf32, #tpu.memory_space<vmem>>[vector<16xi32>, vector<16xi32>], vector<16xf32>,
        %gather3A_474 = tpu.vector_load_idx %arg14[%add3A_5, %and3A_472] : memref<80x128xf32, #tpu.memory_space<vmem>>[vector<16xi32>, vector<16xi32>], vector<16xf32>,
        %add3A_475 = arith.addf %gather3A_473, %gather3A_474 : vector<16xf32>
        %max3A = arith.constant 0.000000e+00 : f32
        %max3A_476 = vector.broadcast %max3A : f32 to vector<16xf32>
        %max3A_477 = arith.maximumf %add3A_475, %max3A_476 : vector<16xf32>
        %mul3A_478 = arith.mulf %max3A_477, %gather3A : vector<16xf32>
        %add3A_479 = arith.addf %scan3A_464, %mul3A_478 : vector<16xf32>
        %gather3A_480 = tpu.vector_load_idx %arg13[%add3A_8, %and3A_472] : memref<80x128xf32, #tpu.memory_space<vmem>>[vector<16xi32>, vector<16xi32>], vector<16xf32>,
        %gather3A_481 = tpu.vector_load_idx %arg14[%add3A_8, %and3A_472] : memref<80x128xf32, #tpu.memory_space<vmem>>[vector<16xi32>, vector<16xi32>], vector<16xf32>,
        %add3A_482 = arith.addf %gather3A_480, %gather3A_481 : vector<16xf32>
        %max3A_483 = arith.constant 0.000000e+00 : f32
        %max3A_484 = vector.broadcast %max3A_483 : f32 to vector<16xf32>
        %max3A_485 = arith.maximumf %add3A_482, %max3A_484 : vector<16xf32>
        %mul3A_486 = arith.mulf %max3A_485, %gather3A : vector<16xf32>
        %add3A_487 = arith.addf %scan3A_465, %mul3A_486 : vector<16xf32>
        %gather3A_488 = tpu.vector_load_idx %arg13[%add3A_11, %and3A_472] : memref<80x128xf32, #tpu.memory_space<vmem>>[vector<16xi32>, vector<16xi32>], vector<16xf32>,
        %gather3A_489 = tpu.vector_load_idx %arg14[%add3A_11, %and3A_472] : memref<80x128xf32, #tpu.memory_space<vmem>>[vector<16xi32>, vector<16xi32>], vector<16xf32>,
        %add3A_490 = arith.addf %gather3A_488, %gather3A_489 : vector<16xf32>
        %max3A_491 = arith.constant 0.000000e+00 : f32
        %max3A_492 = vector.broadcast %max3A_491 : f32 to vector<16xf32>
        %max3A_493 = arith.maximumf %add3A_490, %max3A_492 : vector<16xf32>
        %mul3A_494 = arith.mulf %max3A_493, %gather3A : vector<16xf32>
        %add3A_495 = arith.addf %scan3A_466, %mul3A_494 : vector<16xf32>
        %gather3A_496 = tpu.vector_load_idx %arg13[%add3A_14, %and3A_472] : memref<80x128xf32, #tpu.memory_space<vmem>>[vector<16xi32>, vector<16xi32>], vector<16xf32>,
        %gather3A_497 = tpu.vector_load_idx %arg14[%add3A_14, %and3A_472] : memref<80x128xf32, #tpu.memory_space<vmem>>[vector<16xi32>, vector<16xi32>], vector<16xf32>,
        %add3A_498 = arith.addf %gather3A_496, %gather3A_497 : vector<16xf32>
        %max3A_499 = arith.constant 0.000000e+00 : f32
        %max3A_500 = vector.broadcast %max3A_499 : f32 to vector<16xf32>
        %max3A_501 = arith.maximumf %add3A_498, %max3A_500 : vector<16xf32>
        %mul3A_502 = arith.mulf %max3A_501, %gather3A : vector<16xf32>
        %add3A_503 = arith.addf %scan3A_467, %mul3A_502 : vector<16xf32>
        %gather3A_504 = tpu.vector_load_idx %arg13[%add3A_17, %and3A_472] : memref<80x128xf32, #tpu.memory_space<vmem>>[vector<16xi32>, vector<16xi32>], vector<16xf32>,
        %gather3A_505 = tpu.vector_load_idx %arg14[%add3A_17, %and3A_472] : memref<80x128xf32, #tpu.memory_space<vmem>>[vector<16xi32>, vector<16xi32>], vector<16xf32>,
        %add3A_506 = arith.addf %gather3A_504, %gather3A_505 : vector<16xf32>
        %max3A_507 = arith.constant 0.000000e+00 : f32
        %max3A_508 = vector.broadcast %max3A_507 : f32 to vector<16xf32>
        %max3A_509 = arith.maximumf %add3A_506, %max3A_508 : vector<16xf32>
        %mul3A_510 = arith.mulf %max3A_509, %gather3A : vector<16xf32>
        %add3A_511 = arith.addf %scan3A_468, %mul3A_510 : vector<16xf32>
        %scan3A_512 = arith.constant 1 : i32
        %scan3A_513 = arith.addi %scan3A_463, %scan3A_512 : i32
        %add3A_514 = vector.broadcast %scan3A_513 : i32 to vector<16xi32>
        %add3A_515 = arith.addi %iota3A, %add3A_514 : vector<16xi32>
        %and3A_516 = arith.constant 127 : i32
        %and3A_517 = vector.broadcast %and3A_516 : i32 to vector<16xi32>
        %and3A_518 = arith.andi %add3A_515, %and3A_517 : vector<16xi32>
        %gather3A_519 = tpu.vector_load_idx %arg15[%and3A_518] : memref<144xf32, #tpu.memory_space<vmem>>[vector<16xi32>], vector<16xf32>,
        %gather3A_520 = tpu.vector_load_idx %arg13[%add3A_5, %and3A_518] : memref<80x128xf32, #tpu.memory_space<vmem>>[vector<16xi32>, vector<16xi32>], vector<16xf32>,
        %gather3A_521 = tpu.vector_load_idx %arg14[%add3A_5, %and3A_518] : memref<80x128xf32, #tpu.memory_space<vmem>>[vector<16xi32>, vector<16xi32>], vector<16xf32>,
        %add3A_522 = arith.addf %gather3A_520, %gather3A_521 : vector<16xf32>
        %max3A_523 = arith.constant 0.000000e+00 : f32
        %max3A_524 = vector.broadcast %max3A_523 : f32 to vector<16xf32>
        %max3A_525 = arith.maximumf %add3A_522, %max3A_524 : vector<16xf32>
        %mul3A_526 = arith.mulf %max3A_525, %gather3A_519 : vector<16xf32>
        %add3A_527 = arith.addf %add3A_479, %mul3A_526 : vector<16xf32>
        %gather3A_528 = tpu.vector_load_idx %arg13[%add3A_8, %and3A_518] : memref<80x128xf32, #tpu.memory_space<vmem>>[vector<16xi32>, vector<16xi32>], vector<16xf32>,
        %gather3A_529 = tpu.vector_load_idx %arg14[%add3A_8, %and3A_518] : memref<80x128xf32, #tpu.memory_space<vmem>>[vector<16xi32>, vector<16xi32>], vector<16xf32>,
        %add3A_530 = arith.addf %gather3A_528, %gather3A_529 : vector<16xf32>
        %max3A_531 = arith.constant 0.000000e+00 : f32
        %max3A_532 = vector.broadcast %max3A_531 : f32 to vector<16xf32>
        %max3A_533 = arith.maximumf %add3A_530, %max3A_532 : vector<16xf32>
        %mul3A_534 = arith.mulf %max3A_533, %gather3A_519 : vector<16xf32>
        %add3A_535 = arith.addf %add3A_487, %mul3A_534 : vector<16xf32>
        %gather3A_536 = tpu.vector_load_idx %arg13[%add3A_11, %and3A_518] : memref<80x128xf32, #tpu.memory_space<vmem>>[vector<16xi32>, vector<16xi32>], vector<16xf32>,
        %gather3A_537 = tpu.vector_load_idx %arg14[%add3A_11, %and3A_518] : memref<80x128xf32, #tpu.memory_space<vmem>>[vector<16xi32>, vector<16xi32>], vector<16xf32>,
        %add3A_538 = arith.addf %gather3A_536, %gather3A_537 : vector<16xf32>
        %max3A_539 = arith.constant 0.000000e+00 : f32
        %max3A_540 = vector.broadcast %max3A_539 : f32 to vector<16xf32>
        %max3A_541 = arith.maximumf %add3A_538, %max3A_540 : vector<16xf32>
        %mul3A_542 = arith.mulf %max3A_541, %gather3A_519 : vector<16xf32>
        %add3A_543 = arith.addf %add3A_495, %mul3A_542 : vector<16xf32>
        %gather3A_544 = tpu.vector_load_idx %arg13[%add3A_14, %and3A_518] : memref<80x128xf32, #tpu.memory_space<vmem>>[vector<16xi32>, vector<16xi32>], vector<16xf32>,
        %gather3A_545 = tpu.vector_load_idx %arg14[%add3A_14, %and3A_518] : memref<80x128xf32, #tpu.memory_space<vmem>>[vector<16xi32>, vector<16xi32>], vector<16xf32>,
        %add3A_546 = arith.addf %gather3A_544, %gather3A_545 : vector<16xf32>
        %max3A_547 = arith.constant 0.000000e+00 : f32
        %max3A_548 = vector.broadcast %max3A_547 : f32 to vector<16xf32>
        %max3A_549 = arith.maximumf %add3A_546, %max3A_548 : vector<16xf32>
        %mul3A_550 = arith.mulf %max3A_549, %gather3A_519 : vector<16xf32>
        %add3A_551 = arith.addf %add3A_503, %mul3A_550 : vector<16xf32>
        %gather3A_552 = tpu.vector_load_idx %arg13[%add3A_17, %and3A_518] : memref<80x128xf32, #tpu.memory_space<vmem>>[vector<16xi32>, vector<16xi32>], vector<16xf32>,
        %gather3A_553 = tpu.vector_load_idx %arg14[%add3A_17, %and3A_518] : memref<80x128xf32, #tpu.memory_space<vmem>>[vector<16xi32>, vector<16xi32>], vector<16xf32>,
        %add3A_554 = arith.addf %gather3A_552, %gather3A_553 : vector<16xf32>
        %max3A_555 = arith.constant 0.000000e+00 : f32
        %max3A_556 = vector.broadcast %max3A_555 : f32 to vector<16xf32>
        %max3A_557 = arith.maximumf %add3A_554, %max3A_556 : vector<16xf32>
        %mul3A_558 = arith.mulf %max3A_557, %gather3A_519 : vector<16xf32>
        %add3A_559 = arith.addf %add3A_511, %mul3A_558 : vector<16xf32>
        scf.yield %add3A_527, %add3A_535, %add3A_543, %add3A_551, %add3A_559 : vector<16xf32>, vector<16xf32>, vector<16xf32>, vector<16xf32>, vector<16xf32>
      }
      %scan3A_335 = arith.constant 128 : i32
      %mul3A_336 = arith.constant 80 : i32
      %mul3A_337 = arith.muli %add3A_329, %mul3A_336 : i32
      %neg3A_338 = arith.constant 0.000000e+00 : f32
      %neg3A_339 = vector.broadcast %neg3A_338 : f32 to vector<16xf32>
      %neg3A_340 = arith.subf %neg3A_339, %scan3A_334#0 : vector<16xf32>
      %exp3A_341 = math.exp %neg3A_340 : vector<16xf32>
      %add3A_342 = arith.constant 1.000000e+00 : f32
      %add3A_343 = vector.broadcast %add3A_342 : f32 to vector<16xf32>
      %add3A_344 = arith.addf %add3A_343, %exp3A_341 : vector<16xf32>
      %div3A_345 = arith.constant 1.000000e+00 : f32
      %div3A_346 = vector.broadcast %div3A_345 : f32 to vector<16xf32>
      %div3A_347 = arith.divf %div3A_346, %add3A_344 : vector<16xf32>
      %add3A_348 = arith.constant 0 : i32
      %add3A_349 = arith.addi %mul3A_337, %add3A_348 : i32
      %swap3A_350 = arith.index_cast %add3A_349 : i32 to index
      %swap3A_351 = tpu.vector_load %arg16[%swap3A_350] {strides = array<i32>} : memref<10000xf32, #tpu.memory_space<vmem>>, vector<16xf32>,
      tpu.vector_store %arg16[%swap3A_350], %div3A_347 {strides = array<i32>} : memref<10000xf32, #tpu.memory_space<vmem>>, vector<16xf32>,
      %exp3A_352 = math.exp %scan3A_334#0 : vector<16xf32>
      %add3A_353 = arith.constant 1.000000e+00 : f32
      %add3A_354 = vector.broadcast %add3A_353 : f32 to vector<16xf32>
      %add3A_355 = arith.addf %add3A_354, %exp3A_352 : vector<16xf32>
      %div3A_356 = arith.constant 1.000000e+00 : f32
      %div3A_357 = vector.broadcast %div3A_356 : f32 to vector<16xf32>
      %div3A_358 = arith.divf %div3A_357, %add3A_355 : vector<16xf32>
      %add3A_359 = arith.constant 0 : i32
      %add3A_360 = arith.addi %mul3A_337, %add3A_359 : i32
      %swap3A_361 = arith.index_cast %add3A_360 : i32 to index
      %swap3A_362 = tpu.vector_load %arg17[%swap3A_361] {strides = array<i32>} : memref<10000xf32, #tpu.memory_space<vmem>>, vector<16xf32>,
      tpu.vector_store %arg17[%swap3A_361], %div3A_358 {strides = array<i32>} : memref<10000xf32, #tpu.memory_space<vmem>>, vector<16xf32>,
      %neg3A_363 = arith.constant 0.000000e+00 : f32
      %neg3A_364 = vector.broadcast %neg3A_363 : f32 to vector<16xf32>
      %neg3A_365 = arith.subf %neg3A_364, %scan3A_334#1 : vector<16xf32>
      %exp3A_366 = math.exp %neg3A_365 : vector<16xf32>
      %add3A_367 = arith.constant 1.000000e+00 : f32
      %add3A_368 = vector.broadcast %add3A_367 : f32 to vector<16xf32>
      %add3A_369 = arith.addf %add3A_368, %exp3A_366 : vector<16xf32>
      %div3A_370 = arith.constant 1.000000e+00 : f32
      %div3A_371 = vector.broadcast %div3A_370 : f32 to vector<16xf32>
      %div3A_372 = arith.divf %div3A_371, %add3A_369 : vector<16xf32>
      %add3A_373 = arith.constant 16 : i32
      %add3A_374 = arith.addi %mul3A_337, %add3A_373 : i32
      %swap3A_375 = arith.index_cast %add3A_374 : i32 to index
      %swap3A_376 = tpu.vector_load %arg16[%swap3A_375] {strides = array<i32>} : memref<10000xf32, #tpu.memory_space<vmem>>, vector<16xf32>,
      tpu.vector_store %arg16[%swap3A_375], %div3A_372 {strides = array<i32>} : memref<10000xf32, #tpu.memory_space<vmem>>, vector<16xf32>,
      %exp3A_377 = math.exp %scan3A_334#1 : vector<16xf32>
      %add3A_378 = arith.constant 1.000000e+00 : f32
      %add3A_379 = vector.broadcast %add3A_378 : f32 to vector<16xf32>
      %add3A_380 = arith.addf %add3A_379, %exp3A_377 : vector<16xf32>
      %div3A_381 = arith.constant 1.000000e+00 : f32
      %div3A_382 = vector.broadcast %div3A_381 : f32 to vector<16xf32>
      %div3A_383 = arith.divf %div3A_382, %add3A_380 : vector<16xf32>
      %add3A_384 = arith.constant 16 : i32
      %add3A_385 = arith.addi %mul3A_337, %add3A_384 : i32
      %swap3A_386 = arith.index_cast %add3A_385 : i32 to index
      %swap3A_387 = tpu.vector_load %arg17[%swap3A_386] {strides = array<i32>} : memref<10000xf32, #tpu.memory_space<vmem>>, vector<16xf32>,
      tpu.vector_store %arg17[%swap3A_386], %div3A_383 {strides = array<i32>} : memref<10000xf32, #tpu.memory_space<vmem>>, vector<16xf32>,
      %neg3A_388 = arith.constant 0.000000e+00 : f32
      %neg3A_389 = vector.broadcast %neg3A_388 : f32 to vector<16xf32>
      %neg3A_390 = arith.subf %neg3A_389, %scan3A_334#2 : vector<16xf32>
      %exp3A_391 = math.exp %neg3A_390 : vector<16xf32>
      %add3A_392 = arith.constant 1.000000e+00 : f32
      %add3A_393 = vector.broadcast %add3A_392 : f32 to vector<16xf32>
      %add3A_394 = arith.addf %add3A_393, %exp3A_391 : vector<16xf32>
      %div3A_395 = arith.constant 1.000000e+00 : f32
      %div3A_396 = vector.broadcast %div3A_395 : f32 to vector<16xf32>
      %div3A_397 = arith.divf %div3A_396, %add3A_394 : vector<16xf32>
      %add3A_398 = arith.constant 32 : i32
      %add3A_399 = arith.addi %mul3A_337, %add3A_398 : i32
      %swap3A_400 = arith.index_cast %add3A_399 : i32 to index
      %swap3A_401 = tpu.vector_load %arg16[%swap3A_400] {strides = array<i32>} : memref<10000xf32, #tpu.memory_space<vmem>>, vector<16xf32>,
      tpu.vector_store %arg16[%swap3A_400], %div3A_397 {strides = array<i32>} : memref<10000xf32, #tpu.memory_space<vmem>>, vector<16xf32>,
      %exp3A_402 = math.exp %scan3A_334#2 : vector<16xf32>
      %add3A_403 = arith.constant 1.000000e+00 : f32
      %add3A_404 = vector.broadcast %add3A_403 : f32 to vector<16xf32>
      %add3A_405 = arith.addf %add3A_404, %exp3A_402 : vector<16xf32>
      %div3A_406 = arith.constant 1.000000e+00 : f32
      %div3A_407 = vector.broadcast %div3A_406 : f32 to vector<16xf32>
      %div3A_408 = arith.divf %div3A_407, %add3A_405 : vector<16xf32>
      %add3A_409 = arith.constant 32 : i32
      %add3A_410 = arith.addi %mul3A_337, %add3A_409 : i32
      %swap3A_411 = arith.index_cast %add3A_410 : i32 to index
      %swap3A_412 = tpu.vector_load %arg17[%swap3A_411] {strides = array<i32>} : memref<10000xf32, #tpu.memory_space<vmem>>, vector<16xf32>,
      tpu.vector_store %arg17[%swap3A_411], %div3A_408 {strides = array<i32>} : memref<10000xf32, #tpu.memory_space<vmem>>, vector<16xf32>,
      %neg3A_413 = arith.constant 0.000000e+00 : f32
      %neg3A_414 = vector.broadcast %neg3A_413 : f32 to vector<16xf32>
      %neg3A_415 = arith.subf %neg3A_414, %scan3A_334#3 : vector<16xf32>
      %exp3A_416 = math.exp %neg3A_415 : vector<16xf32>
      %add3A_417 = arith.constant 1.000000e+00 : f32
      %add3A_418 = vector.broadcast %add3A_417 : f32 to vector<16xf32>
      %add3A_419 = arith.addf %add3A_418, %exp3A_416 : vector<16xf32>
      %div3A_420 = arith.constant 1.000000e+00 : f32
      %div3A_421 = vector.broadcast %div3A_420 : f32 to vector<16xf32>
      %div3A_422 = arith.divf %div3A_421, %add3A_419 : vector<16xf32>
      %add3A_423 = arith.constant 48 : i32
      %add3A_424 = arith.addi %mul3A_337, %add3A_423 : i32
      %swap3A_425 = arith.index_cast %add3A_424 : i32 to index
      %swap3A_426 = tpu.vector_load %arg16[%swap3A_425] {strides = array<i32>} : memref<10000xf32, #tpu.memory_space<vmem>>, vector<16xf32>,
      tpu.vector_store %arg16[%swap3A_425], %div3A_422 {strides = array<i32>} : memref<10000xf32, #tpu.memory_space<vmem>>, vector<16xf32>,
      %exp3A_427 = math.exp %scan3A_334#3 : vector<16xf32>
      %add3A_428 = arith.constant 1.000000e+00 : f32
      %add3A_429 = vector.broadcast %add3A_428 : f32 to vector<16xf32>
      %add3A_430 = arith.addf %add3A_429, %exp3A_427 : vector<16xf32>
      %div3A_431 = arith.constant 1.000000e+00 : f32
      %div3A_432 = vector.broadcast %div3A_431 : f32 to vector<16xf32>
      %div3A_433 = arith.divf %div3A_432, %add3A_430 : vector<16xf32>
      %add3A_434 = arith.constant 48 : i32
      %add3A_435 = arith.addi %mul3A_337, %add3A_434 : i32
      %swap3A_436 = arith.index_cast %add3A_435 : i32 to index
      %swap3A_437 = tpu.vector_load %arg17[%swap3A_436] {strides = array<i32>} : memref<10000xf32, #tpu.memory_space<vmem>>, vector<16xf32>,
      tpu.vector_store %arg17[%swap3A_436], %div3A_433 {strides = array<i32>} : memref<10000xf32, #tpu.memory_space<vmem>>, vector<16xf32>,
      %neg3A_438 = arith.constant 0.000000e+00 : f32
      %neg3A_439 = vector.broadcast %neg3A_438 : f32 to vector<16xf32>
      %neg3A_440 = arith.subf %neg3A_439, %scan3A_334#4 : vector<16xf32>
      %exp3A_441 = math.exp %neg3A_440 : vector<16xf32>
      %add3A_442 = arith.constant 1.000000e+00 : f32
      %add3A_443 = vector.broadcast %add3A_442 : f32 to vector<16xf32>
      %add3A_444 = arith.addf %add3A_443, %exp3A_441 : vector<16xf32>
      %div3A_445 = arith.constant 1.000000e+00 : f32
      %div3A_446 = vector.broadcast %div3A_445 : f32 to vector<16xf32>
      %div3A_447 = arith.divf %div3A_446, %add3A_444 : vector<16xf32>
      %add3A_448 = arith.constant 64 : i32
      %add3A_449 = arith.addi %mul3A_337, %add3A_448 : i32
      %swap3A_450 = arith.index_cast %add3A_449 : i32 to index
      %swap3A_451 = tpu.vector_load %arg16[%swap3A_450] {strides = array<i32>} : memref<10000xf32, #tpu.memory_space<vmem>>, vector<16xf32>,
      tpu.vector_store %arg16[%swap3A_450], %div3A_447 {strides = array<i32>} : memref<10000xf32, #tpu.memory_space<vmem>>, vector<16xf32>,
      %exp3A_452 = math.exp %scan3A_334#4 : vector<16xf32>
      %add3A_453 = arith.constant 1.000000e+00 : f32
      %add3A_454 = vector.broadcast %add3A_453 : f32 to vector<16xf32>
      %add3A_455 = arith.addf %add3A_454, %exp3A_452 : vector<16xf32>
      %div3A_456 = arith.constant 1.000000e+00 : f32
      %div3A_457 = vector.broadcast %div3A_456 : f32 to vector<16xf32>
      %div3A_458 = arith.divf %div3A_457, %add3A_455 : vector<16xf32>
      %add3A_459 = arith.constant 64 : i32
      %add3A_460 = arith.addi %mul3A_337, %add3A_459 : i32
      %swap3A_461 = arith.index_cast %add3A_460 : i32 to index
      %swap3A_462 = tpu.vector_load %arg17[%swap3A_461] {strides = array<i32>} : memref<10000xf32, #tpu.memory_space<vmem>>, vector<16xf32>,
      tpu.vector_store %arg17[%swap3A_461], %div3A_458 {strides = array<i32>} : memref<10000xf32, #tpu.memory_space<vmem>>, vector<16xf32>,
    }
    %scan3A_31 = arith.constant 62 : i32
    %dma_wait3A = arith.constant 0 : i32
    %dma_wait3A_32 = tpu.memref_slice %arg9[%dma_wait3A] : memref<10000xi32, #tpu.memory_space<vmem>> -> memref<80xi32, #tpu.memory_space<vmem>>
    %dma_wait3A_33 = arith.constant 0 : i32
    %dma_wait3A_34 = arith.constant 0 : i32
    %dma_wait3A_35 = tpu.memref_slice %arg2[%dma_wait3A_33, %dma_wait3A_34] : memref<10000x128xf32, #tpu.memory_space<hbm>> -> memref<10000x128xf32, #tpu.memory_space<hbm>>
    tpu.wait_indirect_dma semaphore(%arg18 : memref<!tpu.dma_semaphore, #tpu.memory_space<semaphore_mem>>) src(%dma_wait3A_35 : memref<10000x128xf32, #tpu.memory_space<hbm>>) dst(%arg11 : memref<80x128xf32, #tpu.memory_space<vmem>>)
    %dma_wait3A_36 = arith.constant 0 : i32
    %dma_wait3A_37 = tpu.memref_slice %arg10[%dma_wait3A_36] : memref<10000xi32, #tpu.memory_space<vmem>> -> memref<80xi32, #tpu.memory_space<vmem>>
    %dma_wait3A_38 = arith.constant 0 : i32
    %dma_wait3A_39 = arith.constant 0 : i32
    %dma_wait3A_40 = tpu.memref_slice %arg3[%dma_wait3A_38, %dma_wait3A_39] : memref<10000x128xf32, #tpu.memory_space<hbm>> -> memref<10000x128xf32, #tpu.memory_space<hbm>>
    tpu.wait_indirect_dma semaphore(%arg18 : memref<!tpu.dma_semaphore, #tpu.memory_space<semaphore_mem>>) src(%dma_wait3A_40 : memref<10000x128xf32, #tpu.memory_space<hbm>>) dst(%arg12 : memref<80x128xf32, #tpu.memory_space<vmem>>)
    %scan3A_41 = arith.constant 0 : i32
    %scan3A_42 = arith.constant 128 : i32
    %scan3A_43 = arith.addi %scan3A_41, %scan3A_42 : i32
    %scan3A_44 = arith.constant 2 : i32
    %scan3A_45:5 = scf.for %scan3A_148 = %scan3A_41 to %scan3A_43 step %scan3A_44 iter_args(%scan3A_149 = %get3A_3, %scan3A_150 = %get3A_3, %scan3A_151 = %get3A_3, %scan3A_152 = %get3A_3, %scan3A_153 = %get3A_3) -> (vector<16xf32>, vector<16xf32>, vector<16xf32>, vector<16xf32>, vector<16xf32>)  : i32 {
      %add3A_154 = vector.broadcast %scan3A_148 : i32 to vector<16xi32>
      %add3A_155 = arith.addi %iota3A, %add3A_154 : vector<16xi32>
      %and3A = arith.constant 127 : i32
      %and3A_156 = vector.broadcast %and3A : i32 to vector<16xi32>
      %and3A_157 = arith.andi %add3A_155, %and3A_156 : vector<16xi32>
      %gather3A = tpu.vector_load_idx %arg15[%and3A_157] : memref<144xf32, #tpu.memory_space<vmem>>[vector<16xi32>], vector<16xf32>,
      %gather3A_158 = tpu.vector_load_idx %arg11[%add3A_5, %and3A_157] : memref<80x128xf32, #tpu.memory_space<vmem>>[vector<16xi32>, vector<16xi32>], vector<16xf32>,
      %gather3A_159 = tpu.vector_load_idx %arg12[%add3A_5, %and3A_157] : memref<80x128xf32, #tpu.memory_space<vmem>>[vector<16xi32>, vector<16xi32>], vector<16xf32>,
      %add3A_160 = arith.addf %gather3A_158, %gather3A_159 : vector<16xf32>
      %max3A = arith.constant 0.000000e+00 : f32
      %max3A_161 = vector.broadcast %max3A : f32 to vector<16xf32>
      %max3A_162 = arith.maximumf %add3A_160, %max3A_161 : vector<16xf32>
      %mul3A_163 = arith.mulf %max3A_162, %gather3A : vector<16xf32>
      %add3A_164 = arith.addf %scan3A_149, %mul3A_163 : vector<16xf32>
      %gather3A_165 = tpu.vector_load_idx %arg11[%add3A_8, %and3A_157] : memref<80x128xf32, #tpu.memory_space<vmem>>[vector<16xi32>, vector<16xi32>], vector<16xf32>,
      %gather3A_166 = tpu.vector_load_idx %arg12[%add3A_8, %and3A_157] : memref<80x128xf32, #tpu.memory_space<vmem>>[vector<16xi32>, vector<16xi32>], vector<16xf32>,
      %add3A_167 = arith.addf %gather3A_165, %gather3A_166 : vector<16xf32>
      %max3A_168 = arith.constant 0.000000e+00 : f32
      %max3A_169 = vector.broadcast %max3A_168 : f32 to vector<16xf32>
      %max3A_170 = arith.maximumf %add3A_167, %max3A_169 : vector<16xf32>
      %mul3A_171 = arith.mulf %max3A_170, %gather3A : vector<16xf32>
      %add3A_172 = arith.addf %scan3A_150, %mul3A_171 : vector<16xf32>
      %gather3A_173 = tpu.vector_load_idx %arg11[%add3A_11, %and3A_157] : memref<80x128xf32, #tpu.memory_space<vmem>>[vector<16xi32>, vector<16xi32>], vector<16xf32>,
      %gather3A_174 = tpu.vector_load_idx %arg12[%add3A_11, %and3A_157] : memref<80x128xf32, #tpu.memory_space<vmem>>[vector<16xi32>, vector<16xi32>], vector<16xf32>,
      %add3A_175 = arith.addf %gather3A_173, %gather3A_174 : vector<16xf32>
      %max3A_176 = arith.constant 0.000000e+00 : f32
      %max3A_177 = vector.broadcast %max3A_176 : f32 to vector<16xf32>
      %max3A_178 = arith.maximumf %add3A_175, %max3A_177 : vector<16xf32>
      %mul3A_179 = arith.mulf %max3A_178, %gather3A : vector<16xf32>
      %add3A_180 = arith.addf %scan3A_151, %mul3A_179 : vector<16xf32>
      %gather3A_181 = tpu.vector_load_idx %arg11[%add3A_14, %and3A_157] : memref<80x128xf32, #tpu.memory_space<vmem>>[vector<16xi32>, vector<16xi32>], vector<16xf32>,
      %gather3A_182 = tpu.vector_load_idx %arg12[%add3A_14, %and3A_157] : memref<80x128xf32, #tpu.memory_space<vmem>>[vector<16xi32>, vector<16xi32>], vector<16xf32>,
      %add3A_183 = arith.addf %gather3A_181, %gather3A_182 : vector<16xf32>
      %max3A_184 = arith.constant 0.000000e+00 : f32
      %max3A_185 = vector.broadcast %max3A_184 : f32 to vector<16xf32>
      %max3A_186 = arith.maximumf %add3A_183, %max3A_185 : vector<16xf32>
      %mul3A_187 = arith.mulf %max3A_186, %gather3A : vector<16xf32>
      %add3A_188 = arith.addf %scan3A_152, %mul3A_187 : vector<16xf32>
      %gather3A_189 = tpu.vector_load_idx %arg11[%add3A_17, %and3A_157] : memref<80x128xf32, #tpu.memory_space<vmem>>[vector<16xi32>, vector<16xi32>], vector<16xf32>,
      %gather3A_190 = tpu.vector_load_idx %arg12[%add3A_17, %and3A_157] : memref<80x128xf32, #tpu.memory_space<vmem>>[vector<16xi32>, vector<16xi32>], vector<16xf32>,
      %add3A_191 = arith.addf %gather3A_189, %gather3A_190 : vector<16xf32>
      %max3A_192 = arith.constant 0.000000e+00 : f32
      %max3A_193 = vector.broadcast %max3A_192 : f32 to vector<16xf32>
      %max3A_194 = arith.maximumf %add3A_191, %max3A_193 : vector<16xf32>
      %mul3A_195 = arith.mulf %max3A_194, %gather3A : vector<16xf32>
      %add3A_196 = arith.addf %scan3A_153, %mul3A_195 : vector<16xf32>
      %scan3A_197 = arith.constant 1 : i32
      %scan3A_198 = arith.addi %scan3A_148, %scan3A_197 : i32
      %add3A_199 = vector.broadcast %scan3A_198 : i32 to vector<16xi32>
      %add3A_200 = arith.addi %iota3A, %add3A_199 : vector<16xi32>
      %and3A_201 = arith.constant 127 : i32
      %and3A_202 = vector.broadcast %and3A_201 : i32 to vector<16xi32>
      %and3A_203 = arith.andi %add3A_200, %and3A_202 : vector<16xi32>
      %gather3A_204 = tpu.vector_load_idx %arg15[%and3A_203] : memref<144xf32, #tpu.memory_space<vmem>>[vector<16xi32>], vector<16xf32>,
      %gather3A_205 = tpu.vector_load_idx %arg11[%add3A_5, %and3A_203] : memref<80x128xf32, #tpu.memory_space<vmem>>[vector<16xi32>, vector<16xi32>], vector<16xf32>,
      %gather3A_206 = tpu.vector_load_idx %arg12[%add3A_5, %and3A_203] : memref<80x128xf32, #tpu.memory_space<vmem>>[vector<16xi32>, vector<16xi32>], vector<16xf32>,
      %add3A_207 = arith.addf %gather3A_205, %gather3A_206 : vector<16xf32>
      %max3A_208 = arith.constant 0.000000e+00 : f32
      %max3A_209 = vector.broadcast %max3A_208 : f32 to vector<16xf32>
      %max3A_210 = arith.maximumf %add3A_207, %max3A_209 : vector<16xf32>
      %mul3A_211 = arith.mulf %max3A_210, %gather3A_204 : vector<16xf32>
      %add3A_212 = arith.addf %add3A_164, %mul3A_211 : vector<16xf32>
      %gather3A_213 = tpu.vector_load_idx %arg11[%add3A_8, %and3A_203] : memref<80x128xf32, #tpu.memory_space<vmem>>[vector<16xi32>, vector<16xi32>], vector<16xf32>,
      %gather3A_214 = tpu.vector_load_idx %arg12[%add3A_8, %and3A_203] : memref<80x128xf32, #tpu.memory_space<vmem>>[vector<16xi32>, vector<16xi32>], vector<16xf32>,
      %add3A_215 = arith.addf %gather3A_213, %gather3A_214 : vector<16xf32>
      %max3A_216 = arith.constant 0.000000e+00 : f32
      %max3A_217 = vector.broadcast %max3A_216 : f32 to vector<16xf32>
      %max3A_218 = arith.maximumf %add3A_215, %max3A_217 : vector<16xf32>
      %mul3A_219 = arith.mulf %max3A_218, %gather3A_204 : vector<16xf32>
      %add3A_220 = arith.addf %add3A_172, %mul3A_219 : vector<16xf32>
      %gather3A_221 = tpu.vector_load_idx %arg11[%add3A_11, %and3A_203] : memref<80x128xf32, #tpu.memory_space<vmem>>[vector<16xi32>, vector<16xi32>], vector<16xf32>,
      %gather3A_222 = tpu.vector_load_idx %arg12[%add3A_11, %and3A_203] : memref<80x128xf32, #tpu.memory_space<vmem>>[vector<16xi32>, vector<16xi32>], vector<16xf32>,
      %add3A_223 = arith.addf %gather3A_221, %gather3A_222 : vector<16xf32>
      %max3A_224 = arith.constant 0.000000e+00 : f32
      %max3A_225 = vector.broadcast %max3A_224 : f32 to vector<16xf32>
      %max3A_226 = arith.maximumf %add3A_223, %max3A_225 : vector<16xf32>
      %mul3A_227 = arith.mulf %max3A_226, %gather3A_204 : vector<16xf32>
      %add3A_228 = arith.addf %add3A_180, %mul3A_227 : vector<16xf32>
      %gather3A_229 = tpu.vector_load_idx %arg11[%add3A_14, %and3A_203] : memref<80x128xf32, #tpu.memory_space<vmem>>[vector<16xi32>, vector<16xi32>], vector<16xf32>,
      %gather3A_230 = tpu.vector_load_idx %arg12[%add3A_14, %and3A_203] : memref<80x128xf32, #tpu.memory_space<vmem>>[vector<16xi32>, vector<16xi32>], vector<16xf32>,
      %add3A_231 = arith.addf %gather3A_229, %gather3A_230 : vector<16xf32>
      %max3A_232 = arith.constant 0.000000e+00 : f32
      %max3A_233 = vector.broadcast %max3A_232 : f32 to vector<16xf32>
      %max3A_234 = arith.maximumf %add3A_231, %max3A_233 : vector<16xf32>
      %mul3A_235 = arith.mulf %max3A_234, %gather3A_204 : vector<16xf32>
      %add3A_236 = arith.addf %add3A_188, %mul3A_235 : vector<16xf32>
      %gather3A_237 = tpu.vector_load_idx %arg11[%add3A_17, %and3A_203] : memref<80x128xf32, #tpu.memory_space<vmem>>[vector<16xi32>, vector<16xi32>], vector<16xf32>,
      %gather3A_238 = tpu.vector_load_idx %arg12[%add3A_17, %and3A_203] : memref<80x128xf32, #tpu.memory_space<vmem>>[vector<16xi32>, vector<16xi32>], vector<16xf32>,
      %add3A_239 = arith.addf %gather3A_237, %gather3A_238 : vector<16xf32>
      %max3A_240 = arith.constant 0.000000e+00 : f32
      %max3A_241 = vector.broadcast %max3A_240 : f32 to vector<16xf32>
      %max3A_242 = arith.maximumf %add3A_239, %max3A_241 : vector<16xf32>
      %mul3A_243 = arith.mulf %max3A_242, %gather3A_204 : vector<16xf32>
      %add3A_244 = arith.addf %add3A_196, %mul3A_243 : vector<16xf32>
      scf.yield %add3A_212, %add3A_220, %add3A_228, %add3A_236, %add3A_244 : vector<16xf32>, vector<16xf32>, vector<16xf32>, vector<16xf32>, vector<16xf32>
    }
    %scan3A_46 = arith.constant 128 : i32
    %neg3A = arith.constant 0.000000e+00 : f32
    %neg3A_47 = vector.broadcast %neg3A : f32 to vector<16xf32>
    %neg3A_48 = arith.subf %neg3A_47, %scan3A_45#0 : vector<16xf32>
    %exp3A = math.exp %neg3A_48 : vector<16xf32>
    %add3A_49 = arith.constant 1.000000e+00 : f32
    %add3A_50 = vector.broadcast %add3A_49 : f32 to vector<16xf32>
    %add3A_51 = arith.addf %add3A_50, %exp3A : vector<16xf32>
    %div3A = arith.constant 1.000000e+00 : f32
    %div3A_52 = vector.broadcast %div3A : f32 to vector<16xf32>
    %div3A_53 = arith.divf %div3A_52, %add3A_51 : vector<16xf32>
    %swap3A = arith.constant 9920 : index
    %swap3A_54 = tpu.vector_load %arg16[%swap3A] {strides = array<i32>} : memref<10000xf32, #tpu.memory_space<vmem>>, vector<16xf32>,
    tpu.vector_store %arg16[%swap3A], %div3A_53 {strides = array<i32>} : memref<10000xf32, #tpu.memory_space<vmem>>, vector<16xf32>,
    %exp3A_55 = math.exp %scan3A_45#0 : vector<16xf32>
    %add3A_56 = arith.constant 1.000000e+00 : f32
    %add3A_57 = vector.broadcast %add3A_56 : f32 to vector<16xf32>
    %add3A_58 = arith.addf %add3A_57, %exp3A_55 : vector<16xf32>
    %div3A_59 = arith.constant 1.000000e+00 : f32
    %div3A_60 = vector.broadcast %div3A_59 : f32 to vector<16xf32>
    %div3A_61 = arith.divf %div3A_60, %add3A_58 : vector<16xf32>
    %swap3A_62 = arith.constant 9920 : index
    %swap3A_63 = tpu.vector_load %arg17[%swap3A_62] {strides = array<i32>} : memref<10000xf32, #tpu.memory_space<vmem>>, vector<16xf32>,
    tpu.vector_store %arg17[%swap3A_62], %div3A_61 {strides = array<i32>} : memref<10000xf32, #tpu.memory_space<vmem>>, vector<16xf32>,
    %neg3A_64 = arith.constant 0.000000e+00 : f32
    %neg3A_65 = vector.broadcast %neg3A_64 : f32 to vector<16xf32>
    %neg3A_66 = arith.subf %neg3A_65, %scan3A_45#1 : vector<16xf32>
    %exp3A_67 = math.exp %neg3A_66 : vector<16xf32>
    %add3A_68 = arith.constant 1.000000e+00 : f32
    %add3A_69 = vector.broadcast %add3A_68 : f32 to vector<16xf32>
    %add3A_70 = arith.addf %add3A_69, %exp3A_67 : vector<16xf32>
    %div3A_71 = arith.constant 1.000000e+00 : f32
    %div3A_72 = vector.broadcast %div3A_71 : f32 to vector<16xf32>
    %div3A_73 = arith.divf %div3A_72, %add3A_70 : vector<16xf32>
    %swap3A_74 = arith.constant 9936 : index
    %swap3A_75 = tpu.vector_load %arg16[%swap3A_74] {strides = array<i32>} : memref<10000xf32, #tpu.memory_space<vmem>>, vector<16xf32>,
    tpu.vector_store %arg16[%swap3A_74], %div3A_73 {strides = array<i32>} : memref<10000xf32, #tpu.memory_space<vmem>>, vector<16xf32>,
    %exp3A_76 = math.exp %scan3A_45#1 : vector<16xf32>
    %add3A_77 = arith.constant 1.000000e+00 : f32
    %add3A_78 = vector.broadcast %add3A_77 : f32 to vector<16xf32>
    %add3A_79 = arith.addf %add3A_78, %exp3A_76 : vector<16xf32>
    %div3A_80 = arith.constant 1.000000e+00 : f32
    %div3A_81 = vector.broadcast %div3A_80 : f32 to vector<16xf32>
    %div3A_82 = arith.divf %div3A_81, %add3A_79 : vector<16xf32>
    %swap3A_83 = arith.constant 9936 : index
    %swap3A_84 = tpu.vector_load %arg17[%swap3A_83] {strides = array<i32>} : memref<10000xf32, #tpu.memory_space<vmem>>, vector<16xf32>,
    tpu.vector_store %arg17[%swap3A_83], %div3A_82 {strides = array<i32>} : memref<10000xf32, #tpu.memory_space<vmem>>, vector<16xf32>,
    %neg3A_85 = arith.constant 0.000000e+00 : f32
    %neg3A_86 = vector.broadcast %neg3A_85 : f32 to vector<16xf32>
    %neg3A_87 = arith.subf %neg3A_86, %scan3A_45#2 : vector<16xf32>
    %exp3A_88 = math.exp %neg3A_87 : vector<16xf32>
    %add3A_89 = arith.constant 1.000000e+00 : f32
    %add3A_90 = vector.broadcast %add3A_89 : f32 to vector<16xf32>
    %add3A_91 = arith.addf %add3A_90, %exp3A_88 : vector<16xf32>
    %div3A_92 = arith.constant 1.000000e+00 : f32
    %div3A_93 = vector.broadcast %div3A_92 : f32 to vector<16xf32>
    %div3A_94 = arith.divf %div3A_93, %add3A_91 : vector<16xf32>
    %swap3A_95 = arith.constant 9952 : index
    %swap3A_96 = tpu.vector_load %arg16[%swap3A_95] {strides = array<i32>} : memref<10000xf32, #tpu.memory_space<vmem>>, vector<16xf32>,
    tpu.vector_store %arg16[%swap3A_95], %div3A_94 {strides = array<i32>} : memref<10000xf32, #tpu.memory_space<vmem>>, vector<16xf32>,
    %exp3A_97 = math.exp %scan3A_45#2 : vector<16xf32>
    %add3A_98 = arith.constant 1.000000e+00 : f32
    %add3A_99 = vector.broadcast %add3A_98 : f32 to vector<16xf32>
    %add3A_100 = arith.addf %add3A_99, %exp3A_97 : vector<16xf32>
    %div3A_101 = arith.constant 1.000000e+00 : f32
    %div3A_102 = vector.broadcast %div3A_101 : f32 to vector<16xf32>
    %div3A_103 = arith.divf %div3A_102, %add3A_100 : vector<16xf32>
    %swap3A_104 = arith.constant 9952 : index
    %swap3A_105 = tpu.vector_load %arg17[%swap3A_104] {strides = array<i32>} : memref<10000xf32, #tpu.memory_space<vmem>>, vector<16xf32>,
    tpu.vector_store %arg17[%swap3A_104], %div3A_103 {strides = array<i32>} : memref<10000xf32, #tpu.memory_space<vmem>>, vector<16xf32>,
    %neg3A_106 = arith.constant 0.000000e+00 : f32
    %neg3A_107 = vector.broadcast %neg3A_106 : f32 to vector<16xf32>
    %neg3A_108 = arith.subf %neg3A_107, %scan3A_45#3 : vector<16xf32>
    %exp3A_109 = math.exp %neg3A_108 : vector<16xf32>
    %add3A_110 = arith.constant 1.000000e+00 : f32
    %add3A_111 = vector.broadcast %add3A_110 : f32 to vector<16xf32>
    %add3A_112 = arith.addf %add3A_111, %exp3A_109 : vector<16xf32>
    %div3A_113 = arith.constant 1.000000e+00 : f32
    %div3A_114 = vector.broadcast %div3A_113 : f32 to vector<16xf32>
    %div3A_115 = arith.divf %div3A_114, %add3A_112 : vector<16xf32>
    %swap3A_116 = arith.constant 9968 : index
    %swap3A_117 = tpu.vector_load %arg16[%swap3A_116] {strides = array<i32>} : memref<10000xf32, #tpu.memory_space<vmem>>, vector<16xf32>,
    tpu.vector_store %arg16[%swap3A_116], %div3A_115 {strides = array<i32>} : memref<10000xf32, #tpu.memory_space<vmem>>, vector<16xf32>,
    %exp3A_118 = math.exp %scan3A_45#3 : vector<16xf32>
    %add3A_119 = arith.constant 1.000000e+00 : f32
    %add3A_120 = vector.broadcast %add3A_119 : f32 to vector<16xf32>
    %add3A_121 = arith.addf %add3A_120, %exp3A_118 : vector<16xf32>
    %div3A_122 = arith.constant 1.000000e+00 : f32
    %div3A_123 = vector.broadcast %div3A_122 : f32 to vector<16xf32>
    %div3A_124 = arith.divf %div3A_123, %add3A_121 : vector<16xf32>
    %swap3A_125 = arith.constant 9968 : index
    %swap3A_126 = tpu.vector_load %arg17[%swap3A_125] {strides = array<i32>} : memref<10000xf32, #tpu.memory_space<vmem>>, vector<16xf32>,
    tpu.vector_store %arg17[%swap3A_125], %div3A_124 {strides = array<i32>} : memref<10000xf32, #tpu.memory_space<vmem>>, vector<16xf32>,
    %neg3A_127 = arith.constant 0.000000e+00 : f32
    %neg3A_128 = vector.broadcast %neg3A_127 : f32 to vector<16xf32>
    %neg3A_129 = arith.subf %neg3A_128, %scan3A_45#4 : vector<16xf32>
    %exp3A_130 = math.exp %neg3A_129 : vector<16xf32>
    %add3A_131 = arith.constant 1.000000e+00 : f32
    %add3A_132 = vector.broadcast %add3A_131 : f32 to vector<16xf32>
    %add3A_133 = arith.addf %add3A_132, %exp3A_130 : vector<16xf32>
    %div3A_134 = arith.constant 1.000000e+00 : f32
    %div3A_135 = vector.broadcast %div3A_134 : f32 to vector<16xf32>
    %div3A_136 = arith.divf %div3A_135, %add3A_133 : vector<16xf32>
    %swap3A_137 = arith.constant 9984 : index
    %swap3A_138 = tpu.vector_load %arg16[%swap3A_137] {strides = array<i32>} : memref<10000xf32, #tpu.memory_space<vmem>>, vector<16xf32>,
    tpu.vector_store %arg16[%swap3A_137], %div3A_136 {strides = array<i32>} : memref<10000xf32, #tpu.memory_space<vmem>>, vector<16xf32>,
    %exp3A_139 = math.exp %scan3A_45#4 : vector<16xf32>
    %add3A_140 = arith.constant 1.000000e+00 : f32
    %add3A_141 = vector.broadcast %add3A_140 : f32 to vector<16xf32>
    %add3A_142 = arith.addf %add3A_141, %exp3A_139 : vector<16xf32>
    %div3A_143 = arith.constant 1.000000e+00 : f32
    %div3A_144 = vector.broadcast %div3A_143 : f32 to vector<16xf32>
    %div3A_145 = arith.divf %div3A_144, %add3A_142 : vector<16xf32>
    %swap3A_146 = arith.constant 9984 : index
    %swap3A_147 = tpu.vector_load %arg17[%swap3A_146] {strides = array<i32>} : memref<10000xf32, #tpu.memory_space<vmem>>, vector<16xf32>,
    tpu.vector_store %arg17[%swap3A_146], %div3A_145 {strides = array<i32>} : memref<10000xf32, #tpu.memory_space<vmem>>, vector<16xf32>,
    "tpu.region"() ({
      %run_scoped3A = tpu.sem_alloc : memref<!tpu.dma_semaphore, #tpu.memory_space<semaphore_mem>>
      %dma_start3A_148 = tpu.memref_slice %arg7[%mul3A_2] : memref<320000xf32, #tpu.memory_space<hbm>> -> memref<10000xf32, #tpu.memory_space<hbm>>
      %dma_start3A_149 = tpu.memref_slice %arg7[%mul3A_2] : memref<320000xf32, #tpu.memory_space<hbm>> -> memref<10000xf32, #tpu.memory_space<hbm>>
      tpu.enqueue_dma source(%arg16 : memref<10000xf32, #tpu.memory_space<vmem>>) target(%dma_start3A_149 : memref<10000xf32, #tpu.memory_space<hbm>>) target_semaphore(%run_scoped3A : memref<!tpu.dma_semaphore, #tpu.memory_space<semaphore_mem>>)
      %dma_wait3A_150 = tpu.memref_slice %arg7[%mul3A_2] : memref<320000xf32, #tpu.memory_space<hbm>> -> memref<10000xf32, #tpu.memory_space<hbm>>
      %dma_wait3A_151 = tpu.memref_slice %arg7[%mul3A_2] : memref<320000xf32, #tpu.memory_space<hbm>> -> memref<10000xf32, #tpu.memory_space<hbm>>
      tpu.wait_dma2 semaphore(%run_scoped3A : memref<!tpu.dma_semaphore, #tpu.memory_space<semaphore_mem>>) src(%arg16 : memref<10000xf32, #tpu.memory_space<vmem>>) dst(%dma_wait3A_151 : memref<10000xf32, #tpu.memory_space<hbm>>)
      tpu.yield
    }) : () -> ()
    "tpu.region"() ({
      %run_scoped3A = tpu.sem_alloc : memref<!tpu.dma_semaphore, #tpu.memory_space<semaphore_mem>>
      %dma_start3A_148 = tpu.memref_slice %arg8[%mul3A_2] : memref<320000xf32, #tpu.memory_space<hbm>> -> memref<10000xf32, #tpu.memory_space<hbm>>
      %dma_start3A_149 = tpu.memref_slice %arg8[%mul3A_2] : memref<320000xf32, #tpu.memory_space<hbm>> -> memref<10000xf32, #tpu.memory_space<hbm>>
      tpu.enqueue_dma source(%arg17 : memref<10000xf32, #tpu.memory_space<vmem>>) target(%dma_start3A_149 : memref<10000xf32, #tpu.memory_space<hbm>>) target_semaphore(%run_scoped3A : memref<!tpu.dma_semaphore, #tpu.memory_space<semaphore_mem>>)
      %dma_wait3A_150 = tpu.memref_slice %arg8[%mul3A_2] : memref<320000xf32, #tpu.memory_space<hbm>> -> memref<10000xf32, #tpu.memory_space<hbm>>
      %dma_wait3A_151 = tpu.memref_slice %arg8[%mul3A_2] : memref<320000xf32, #tpu.memory_space<hbm>> -> memref<10000xf32, #tpu.memory_space<hbm>>
      tpu.wait_dma2 semaphore(%run_scoped3A : memref<!tpu.dma_semaphore, #tpu.memory_space<semaphore_mem>>) src(%arg17 : memref<10000xf32, #tpu.memory_space<vmem>>) dst(%dma_wait3A_151 : memref<10000xf32, #tpu.memory_space<hbm>>)
      tpu.yield
    }) : () -> ()
    return
  }
}

module attributes {stable_mosaic.version = 14 : i64} {
  func.func @_proj_body(%arg0: i32, %arg1: memref<400x128xf32, #tpu.memory_space<vmem>>, %arg2: memref<256x128xf32, #tpu.memory_space<vmem>>, %arg3: memref<1x128xf32, #tpu.memory_space<vmem>>, %arg4: memref<2x128xf32, #tpu.memory_space<vmem>>, %arg5: memref<1x2xf32, #tpu.memory_space<vmem>>, %arg6: memref<400x128xf32, #tpu.memory_space<vmem>>, %arg7: memref<400x128xf32, #tpu.memory_space<vmem>>, %arg8: memref<1x144xf32, #tpu.memory_space<vmem>>) attributes {dimension_semantics = [#tpu.dimension_semantics<arbitrary>], iteration_bounds = array<i64: 25>, scalar_prefetch = 0 : i64, scratch_operands = 0 : i64, tpu.core_type = #tpu.core_type<tc>, window_params = [{transform_indices = @transform_0, window_bounds = array<i64: 400, 128>}, {pipeline_mode = #tpu.pipeline_mode<synchronous>, transform_indices = @transform_1, window_bounds = array<i64: 256, 128>}, {pipeline_mode = #tpu.pipeline_mode<synchronous>, transform_indices = @transform_2, window_bounds = array<i64: 1, 128>}, {pipeline_mode = #tpu.pipeline_mode<synchronous>, transform_indices = @transform_3, window_bounds = array<i64: 2, 128>}, {pipeline_mode = #tpu.pipeline_mode<synchronous>, transform_indices = @transform_4, window_bounds = array<i64: 1, 2>}, {transform_indices = @transform_5, window_bounds = array<i64: 400, 128>}, {transform_indices = @transform_6, window_bounds = array<i64: 400, 128>}, {pipeline_mode = #tpu.pipeline_mode<synchronous>, transform_indices = @transform_7, window_bounds = array<i64: 1, 144>}]} {
    %get3A = arith.constant 0 : index
    %get3A_0 = arith.constant 0 : index
    %get3A_1 = vector.load %arg1[%get3A, %get3A_0] : memref<400x128xf32, #tpu.memory_space<vmem>>, vector<400x128xf32>
    %get3A_2 = arith.constant 0 : index
    %get3A_3 = arith.constant 0 : index
    %get3A_4 = vector.load %arg2[%get3A_2, %get3A_3] : memref<256x128xf32, #tpu.memory_space<vmem>>, vector<128x128xf32>
    %get3A_5 = arith.constant 128 : index
    %get3A_6 = arith.constant 0 : index
    %get3A_7 = vector.load %arg2[%get3A_5, %get3A_6] : memref<256x128xf32, #tpu.memory_space<vmem>>, vector<128x128xf32>
    %dot_general3A = arith.constant dense<0.000000e+00> : vector<400x128xf32>
    %dot_general3A_8 = tpu.matmul %get3A_1, %get3A_4, %dot_general3A {dimension_numbers = #tpu.dot_dimension_numbers<[1], [0], [0], [1], [0, 0, 1, 1], [], []>, transpose_lhs_hint = false} : vector<400x128xf32>, vector<128x128xf32>, vector<400x128xf32> -> vector<400x128xf32>
    %get3A_9 = arith.constant 0 : index
    %get3A_10 = arith.constant 0 : index
    %get3A_11 = vector.load %arg3[%get3A_9, %get3A_10] : memref<1x128xf32, #tpu.memory_space<vmem>>, vector<1x128xf32>
    %add3A = vector.broadcast %get3A_11 : vector<1x128xf32> to vector<400x128xf32>
    %add3A_12 = arith.addf %dot_general3A_8, %add3A : vector<400x128xf32>
    %swap3A = arith.constant 0 : index
    %swap3A_13 = arith.constant 0 : index
    %swap3A_14 = vector.load %arg6[%swap3A, %swap3A_13] : memref<400x128xf32, #tpu.memory_space<vmem>>, vector<400x128xf32>
    tpu.vector_store %arg6[%swap3A, %swap3A_13], %add3A_12 {strides = array<i32>} : memref<400x128xf32, #tpu.memory_space<vmem>>, vector<400x128xf32>,
    %dot_general3A_15 = arith.constant dense<0.000000e+00> : vector<400x128xf32>
    %dot_general3A_16 = tpu.matmul %get3A_1, %get3A_7, %dot_general3A_15 {dimension_numbers = #tpu.dot_dimension_numbers<[1], [0], [0], [1], [0, 0, 1, 1], [], []>, transpose_lhs_hint = false} : vector<400x128xf32>, vector<128x128xf32>, vector<400x128xf32> -> vector<400x128xf32>
    %swap3A_17 = arith.constant 0 : index
    %swap3A_18 = arith.constant 0 : index
    %swap3A_19 = vector.load %arg7[%swap3A_17, %swap3A_18] : memref<400x128xf32, #tpu.memory_space<vmem>>, vector<400x128xf32>
    tpu.vector_store %arg7[%swap3A_17, %swap3A_18], %dot_general3A_16 {strides = array<i32>} : memref<400x128xf32, #tpu.memory_space<vmem>>, vector<400x128xf32>,
    %get3A_20 = arith.constant 0 : index
    %get3A_21 = arith.constant 0 : index
    %get3A_22 = vector.load %arg4[%get3A_20, %get3A_21] : memref<2x128xf32, #tpu.memory_space<vmem>>, vector<1x128xf32>
    %get3A_23 = vector.shape_cast %get3A_22 : vector<1x128xf32> to vector<128xf32>
    %get3A_24 = arith.constant 1 : index
    %get3A_25 = arith.constant 0 : index
    %get3A_26 = vector.load %arg4[%get3A_24, %get3A_25] : memref<2x128xf32, #tpu.memory_space<vmem>>, vector<1x128xf32>
    %get3A_27 = vector.shape_cast %get3A_26 : vector<1x128xf32> to vector<128xf32>
    %sub3A = arith.subf %get3A_23, %get3A_27 : vector<128xf32>
    %get3A_28 = arith.constant 0 : index
    %get3A_29 = arith.constant 0 : index
    %get3A_30 = vector.load %arg5[%get3A_28, %get3A_29] : memref<1x2xf32, #tpu.memory_space<vmem>>, vector<1x1xf32>
    %get3A_31 = vector.extract %get3A_30[0, 0] : f32 from vector<1x1xf32>
    %get3A_32 = arith.constant 0 : index
    %get3A_33 = arith.constant 1 : index
    %get3A_34 = vector.load %arg5[%get3A_32, %get3A_33] : memref<1x2xf32, #tpu.memory_space<vmem>>, vector<1x1xf32>
    %get3A_35 = vector.extract %get3A_34[0, 0] : f32 from vector<1x1xf32>
    %sub3A_36 = arith.subf %get3A_31, %get3A_35 : f32
    %broadcast_in_dim3A = vector.broadcast %sub3A_36 : f32 to vector<16xf32>
    %concatenate3A = tpu.concatenate %sub3A, %broadcast_in_dim3A in 0 : vector<128xf32>, vector<16xf32> -> vector<144xf32>
    %reshape3A = vector.shape_cast %concatenate3A : vector<144xf32> to vector<1x144xf32>
    %swap3A_37 = arith.constant 0 : index
    %swap3A_38 = arith.constant 0 : index
    %swap3A_39 = vector.load %arg8[%swap3A_37, %swap3A_38] : memref<1x144xf32, #tpu.memory_space<vmem>>, vector<1x144xf32>
    tpu.vector_store %arg8[%swap3A_37, %swap3A_38], %reshape3A {strides = array<i32>} : memref<1x144xf32, #tpu.memory_space<vmem>>, vector<1x144xf32>,
    return
  }
  func.func @transform_0(%arg0: i32) -> (i32, i32) {
    %c0_i32 = arith.constant 0 : i32
    %c0_i32_0 = arith.constant 0 : i32
    return %arg0, %c0_i32 : i32, i32
  }
  func.func @transform_1(%arg0: i32) -> (i32, i32) {
    %c0_i32 = arith.constant 0 : i32
    %c0_i32_0 = arith.constant 0 : i32
    %c0_i32_1 = arith.constant 0 : i32
    return %c0_i32, %c0_i32_0 : i32, i32
  }
  func.func @transform_2(%arg0: i32) -> (i32, i32) {
    %c0_i32 = arith.constant 0 : i32
    %c0_i32_0 = arith.constant 0 : i32
    %c0_i32_1 = arith.constant 0 : i32
    return %c0_i32, %c0_i32_0 : i32, i32
  }
  func.func @transform_3(%arg0: i32) -> (i32, i32) {
    %c0_i32 = arith.constant 0 : i32
    %c0_i32_0 = arith.constant 0 : i32
    %c0_i32_1 = arith.constant 0 : i32
    return %c0_i32, %c0_i32_0 : i32, i32
  }
  func.func @transform_4(%arg0: i32) -> (i32, i32) {
    %c0_i32 = arith.constant 0 : i32
    %c0_i32_0 = arith.constant 0 : i32
    %c0_i32_1 = arith.constant 0 : i32
    return %c0_i32, %c0_i32_0 : i32, i32
  }
  func.func @transform_5(%arg0: i32) -> (i32, i32) {
    %c0_i32 = arith.constant 0 : i32
    %c0_i32_0 = arith.constant 0 : i32
    return %arg0, %c0_i32 : i32, i32
  }
  func.func @transform_6(%arg0: i32) -> (i32, i32) {
    %c0_i32 = arith.constant 0 : i32
    %c0_i32_0 = arith.constant 0 : i32
    return %arg0, %c0_i32 : i32, i32
  }
  func.func @transform_7(%arg0: i32) -> (i32, i32) {
    %c0_i32 = arith.constant 0 : i32
    %c0_i32_0 = arith.constant 0 : i32
    %c0_i32_1 = arith.constant 0 : i32
    return %c0_i32, %c0_i32_0 : i32, i32
  }
}

</mosaic_0001>

<sc_bundles>
// kernel: kernel.4.cloned.1.call-start
scs
__scs_entry_jumppad:
0x0: {  	(pc) =	sbr.rel $0x88, $3  }
0x1: {  	(tag) =	ssettag $0x0;
	lr =	simm.s32 $0x1  }
0x2: {  	[smem:$0x3F9B] =	sst lr;
	_ =	strace $0xD0000000  }
0x3: {  	_ = 	snop  }
0x4: {  	_ = 	snop  }
0x5: {  	_ = 	snop  }
0x6: {  	_ = 	snop  }
0x7: {  	_ = 	snop  }
__scs_overlays_trampoline_lowered:
0x8: {  	[smem:$0x3FAA] =	sst s0  }
0x9: {  	[smem:$0x3FAB] =	sst s1  }
0xa: {  	[smem:$0x3FAC] =	sst s2  }
0xb: {  	[smem:$0x3FAD] =	sst s3  }
0xc: {  	[smem:$0x3FAE] =	sst s4  }
0xd: {  	[smem:$0x3FAF] =	sst s5  }
0xe: {  	[smem:$0x3FB0] =	sst s6  }
0xf: {  	[smem:$0x3FB1] =	sst s7  }
0x10: {  	[smem:$0x3FB2] =	sst s8  }
0x11: {  	[smem:$0x3FB3] =	sst s9;
	s0 =	simm.s32 @!p0 $0x0  }
0x12: {  	s1 =	sld [smem:$0x3F99];
	s0 =	simm.s32 @p0 $0x1  }
0x13: {  	[smem:$0x3FB4] =	sst s0;
	s0 =	simm.s32 @!p1 $0x0  }
0x14: {  	s2 =	sld [smem:$0x3F98];
	s0 =	simm.s32 @p1 $0x1  }
0x15: {  	[smem:$0x3FB5] =	sst s0;
	s0 =	simm.s32 @!p2 $0x0  }
0x16: {  	s3 =	sld [smem:$0x3FDB];
	s0 =	simm.s32 @p2 $0x1  }
0x17: {  	s4 =	simm.s32 $0x1BF5;
	[smem:$0x3FB7] =	sst s0  }
0x18: {  	s0 =	sld [smem:$0x3F9A];
	_ =	swait.ge [sflag:s4], $0x0  }
0x19: {  	s7 =	sld [smem:$0x3F9B]  }
0x1a: {  	s8 =	sadd.s32 $0xFFFFE003, lr  }
0x1b: {  	s9 =	sadd.s32 $0xFFFFFEF7, lr;
	s5 =	simm.s32 $0xFFFFFFFF;
	p2 =	slt.u32 s8, $0xFFFFF086  }
0x1c: {  	p1 =	slt.u32 s9, $0xF7A;
	s5 =	simm.s32 @!p2 $0x0  }
0x1d: {  	s5 =	simm.s32 @p1 $0x1;
	p0 =	seq.s32 s7, s2  }
0x1e: {  	s7 =	smul.u32 @!p0 $0xF7A, s2;
	p2 =	seq.s32 @!p0 s5, $0x0  }
0x1f: {  	s9 =	smul.u32 $0xF7A, s1;
	s8 =	simm.s32 @!p0 $0x1BF5;
	p2 =	por !p2, p0  }
0x20: {  	[sflag:s8] =	ssyncset.s32 @!p0 $0xFFFFF086;
	s6 =	sadd.s32 @!p0 s3, s7;
	s7 =	simm.s32 @!p0 $0x108  }
0x21: {  	s3 =	sadd.s32 s3, s9;
	s6 =	sadd.s32 @!p0 $0x88, s6;
	s7 =	simm.s32 @p2 $0x1082  }
0x22: {  	[simem:s7], [sflag:s8] =	dma.local @!p0 [hbm:s6], $0xF7A  }
0x23: {  	s9 =	sor.u32 $0xD0000000, s2;
	s6 =	simm.s32 $0x108;
	_ =	swait.ge @!p0 [sflag:s8], $0x0  }
0x24: {  	s3 =	sadd.s32 $0x88, s3;
	s6 =	simm.s32 @!p1 $0x1082;
	[sflag:s4] =	ssyncset.s32 $0xFFFFF086  }
0x25: {  	[simem:s6], [sflag:s4] =	dma.local [hbm:s3], $0xF7A  }
0x26: {  	[smem:$0x3F9B] =	sst s1;
	(tag) =	ssettag s2;
	_ =	strace s9  }
0x27: {  	s1 =	sld [smem:$0x3FAB]  }
0x28: {  	s2 =	sld [smem:$0x3FAC]  }
0x29: {  	s4 =	sld [smem:$0x3FAE]  }
0x2a: {  	p0 =	seq.s32 s5, $0x0;
	s5 =	sld [smem:$0x3FAF]  }
0x2b: {  	s6 =	sld [smem:$0x3FB0]  }
0x2c: {  	s7 =	sld [smem:$0x3FB1]  }
0x2d: {  	s3 =	simm.s32 $0x108;
	s8 =	sld [smem:$0x3FB2]  }
0x2e: {  	s3 =	simm.s32 @!p0 $0x1082;
	s9 =	sld [smem:$0x3FB3]  }
0x2f: {  	lr =	sadd.s32 s0, s3;
	s0 =	sld [smem:$0x3FAA]  }
0x30: {  	s3 =	sld [smem:$0x3FAD]  }
0x31: {  	[smem:$0x3FB6] =	sst s10  }
0x32: {  	s10 =	sld [smem:$0x3FB4];
	_ =	sdelay $0x3  }
0x33: {  	p0 =	seq.s32 s10, $0x1;
	s10 =	sld [smem:$0x3FB6];
	_ =	sdelay $0x3  }
0x34: {  	[smem:$0x3FB6] =	sst s10  }
0x35: {  	s10 =	sld [smem:$0x3FB5];
	_ =	sdelay $0x3  }
0x36: {  	p1 =	seq.s32 s10, $0x1;
	s10 =	sld [smem:$0x3FB6];
	_ =	sdelay $0x3  }
0x37: {  	[smem:$0x3FB6] =	sst s10  }
0x38: {  	s10 =	sld [smem:$0x3FB7]  }
0x39: {  	_ = 	snop;
	(pc) =	sbr.ind lr, $3  }
0x3a: {  	_ = 	snop  }
0x3b: {  	_ = 	snop  }
0x3c: {  	p2 =	seq.s32 s10, $0x1;
	s10 =	sld [smem:$0x3FB6]  }
0x3d: {  	_ =	shalt  }
0x3e: {  	_ =	shalt  }
0x3f: {  	_ =	shalt  }
0x40: {  	_ =	shalt  }
0x41: {  	_ =	shalt  }
0x42: {  	_ =	shalt  }
0x43: {  	_ =	shalt  }
0x44: {  	_ =	shalt  }
0x45: {  	_ =	shalt  }
0x46: {  	_ =	shalt  }
0x47: {  	_ =	shalt  }
0x48: {  	_ =	shalt  }
0x49: {  	_ =	shalt  }
0x4a: {  	_ =	shalt  }
0x4b: {  	_ =	shalt  }
0x4c: {  	_ =	shalt  }
0x4d: {  	_ =	shalt  }
0x4e: {  	_ =	shalt  }
0x4f: {  	_ =	shalt  }
0x50: {  	_ =	shalt  }
0x51: {  	_ =	shalt  }
0x52: {  	_ =	shalt  }
0x53: {  	_ =	shalt  }
0x54: {  	_ =	shalt  }
0x55: {  	_ =	shalt  }
0x56: {  	_ =	shalt  }
0x57: {  	_ =	shalt  }
0x58: {  	_ =	shalt  }
0x59: {  	_ =	shalt  }
0x5a: {  	_ =	shalt  }
0x5b: {  	_ =	shalt  }
0x5c: {  	_ =	shalt  }
0x5d: {  	_ =	shalt  }
0x5e: {  	_ =	shalt  }
0x5f: {  	_ =	shalt  }
0x60: {  	_ =	shalt  }
0x61: {  	_ =	shalt  }
0x62: {  	_ =	shalt  }
0x63: {  	_ =	shalt  }
0x64: {  	_ =	shalt  }
0x65: {  	_ =	shalt  }
0x66: {  	_ =	shalt  }
0x67: {  	_ =	shalt  }
0x68: {  	_ =	shalt  }
0x69: {  	_ =	shalt  }
0x6a: {  	_ =	shalt  }
0x6b: {  	_ =	shalt  }
0x6c: {  	_ =	shalt  }
0x6d: {  	_ =	shalt  }
0x6e: {  	_ =	shalt  }
0x6f: {  	_ =	shalt  }
0x70: {  	_ =	shalt  }
0x71: {  	_ =	shalt  }
0x72: {  	_ =	shalt  }
0x73: {  	_ =	shalt  }
0x74: {  	_ =	shalt  }
0x75: {  	_ =	shalt  }
0x76: {  	_ =	shalt  }
0x77: {  	_ =	shalt  }
0x78: {  	_ =	shalt  }
0x79: {  	_ =	shalt  }
0x7a: {  	_ =	shalt  }
0x7b: {  	_ =	shalt  }
0x7c: {  	_ =	shalt  }
0x7d: {  	_ =	shalt  }
0x7e: {  	_ =	shalt  }
0x7f: {  	_ =	shalt  }
0x80: {  	_ =	shalt  }
0x81: {  	_ =	shalt  }
0x82: {  	_ =	shalt  }
0x83: {  	_ =	shalt  }
0x84: {  	_ =	shalt  }
0x85: {  	_ =	shalt  }
0x86: {  	_ =	shalt  }
0x87: {  	_ =	shalt  }
.Lfunc_end0:
.L_simem_size_0:
called_computation_lowered:
.L_overlay_start_0:
0x88: {  	s2 =	sld [smem:$0x3FD9]  }
0x89: {  	s3 =	sld [smem:$0x3FFE];
	_ =	sdelay $0x1  }
0x8a: {  	s1 =	srdreg.scid  }
0x8b: {  	s0 =	sand.u32 $0x1, s1  }
0x8c: {  	s14 =	sshll.u32 s0, $0xA;
	s2 =	sadd.s32 s3, s2  }
0x8d: {  	s2 =	sadd.s32 s2, s14  }
0x8e: {  	[smem:$0x3FC2] =	sst s2  }
0x8f: {  	_ = 	snop  }
0x90: {  	s2 =	sld [smem:$0x3FD0];
	_ =	sdelay $0x2  }
0x91: {  	s15 =	simm.s32 $0xA;
	s4 =	simm.s32 $0x10  }
0x92: {  	[smem:s4], [sflag:s15] =	dma.local [hbm:s2], $0x1  }
0x93: {  	_ =	swait.eq [sflag:s15], $0x1  }
0x94: {  	[sflag:s15] =	ssyncset.done $0x0  }
0x95: {  	s16 =	sld [smem:$0x10];
	[sflag:s15] =	ssyncadd.s32 $0xFFFFFFFF  }
0x96: {  	s17 =	sld [smem:$0x11];
	(tm) =	ssettm $0x1  }
0x97: {  	s18 =	sld [smem:$0x3FFB];
	_ =	sdelay $0x3  }
0x98: {  	_ =	strace s18  }
0x99: {  	s4 =	sld [smem:$0x3FFC];
	_ =	sdelay $0x3  }
0x9a: {  	_ =	strace s4  }
0x9b: {  	s4 =	sld [smem:$0x3FFD];
	_ =	sdelay $0x3  }
0x9c: {  	_ =	strace s4  }
0x9d: {  	_ =	strace $0x8FFFFFFF  }
0x9e: {  	s19 =	sld [smem:$0x3FDB];
	_ =	sdelay $0x1  }
0x9f: {  	s5 =	simm.s32 $_scs_section_size  }
0xa0: {  	s6 =	simm.s32 $_size__tile_overlayer_lowered;
	s7 =	simm.s32 $_tile_overlayer_lowered  }
0xa1: {  	s22 =	simm.s32 $0x1BFF;
	s21 =	sshll.u32 s7, $0x1;
	s4 =	sadd.s32 s5, s19  }
0xa2: {  	s8 =	simm.s32 $0x0;
	s20 =	sshll.u32 s6, $0x1;
	s6 =	sadd.s32 s21, s4  }
0xa3: {  	[timem:s8], [sflag:s22] =	dma.local [hbm:s6], s20  }
0xa4: {  	_ =	swait.ge [sflag:s22], s20  }
0xa5: {  	s5 =	ssub.s32 $0x0, s20;
	[sflag:s22] =	ssyncset.done $0x0  }
0xa6: {  	[sflag:s22] =	ssyncadd.s32 s5;
	_ =	sdelay $0x1  }
0xa7: {  	s23 =	simm.s32 $0x1B8B  }
0xa8: {  	_ =	swait.ge [sflag:s23], $0x1  }
0xa9: {  	[sflag:s23] =	ssyncset.done $0x0  }
0xaa: {  	s25 =	simm.s32 $0x1B8E;
	s24 =	sld [smem:$0x3FFE];
	[sflag:s23] =	ssyncadd.s32 $0xFFFFFFFF  }
0xab: {  	s26 =	simm.s32 $execute0_lowered;
	[smem:$0x3FD2] =	sst s25  }
0xac: {  	s6 =	sshll.u32 s26, $0x1;
	_ =	strace $0x80000046;
	[dreg:$0x1] =	wrdreg $0xFFFFFFFF  }
0xad: {  	s28 =	simm.s32 $_size_execute0_lowered;
	s4 =	sadd.s32 s4, s6;
	[dreg:$0x0] =	wrdreg $0x0  }
0xae: {  	s6 =	sshll.u32 s28, $0x1;
	[dreg:$0x2] =	wrdreg s4  }
0xaf: {  	[dreg:$0x3] =	wrdreg s6  }
0xb0: {  	[dreg:$0x4] =	wrdreg $0xC0  }
0xb1: {  	_ =	task [dreg:s8], $0x5FFFF  }
0xb2: {  	[dreg:$0x1] =	wrdreg $0xFFFFFFFF  }
0xb3: {  	[dreg:$0x0] =	wrdreg $0x60  }
0xb4: {  	[dreg:$0x2] =	wrdreg s24  }
0xb5: {  	[dreg:$0x3] =	wrdreg s16  }
0xb6: {  	[dreg:$0x4] =	wrdreg s17  }
0xb7: {  	[dreg:$0x5] =	wrdreg $0x9  }
0xb8: {  	_ =	task.clear_ibuf [dreg:s8], $0x6FFFF;
	_ =	strace $0x90000046  }
0xb9: {  	s29 =	simm.s32 $0x9;
	_ =	strace $0x80000048  }
0xba: {  	_ =	swait.ge [sflag:s29], $0x1  }
0xbb: {  	[sflag:s29] =	ssyncadd.s32 $0xFFFFFFFF  }
0xbc: {  	_ =	strace $0x90000048  }
0xbd: {  	_ =	sfence  }
0xbe: {  	s30 =	sld [smem:$0x0];
	_ =	sdelay $0x2  }
0xbf: {  	s31 =	sshll.u32 s1, $0xD;
	s1 =	sshrl.u32 s1, $0x2  }
0xc0: {  	s3 =	sand.u32 $0x4000, s31;
	s1 =	sadd.s32 s1, s30  }
0xc1: {  	s0 =	sor.u32 s3, s0;
	s1 =	sshll.u32 s1, $0x11  }
0xc2: {  	s0 =	sor.u32 s1, s0  }
0xc3: {  	s0 =	sadd.s32 $0x8F2B, s0  }
0xc4: {  	[sflag:s0] =	ssyncadd.remote.s32 $0x1  }
0xc5: {  	_ =	sfence.sel $0xFFFF  }
0xc6: {  	[dreg:$0x0] =	wrdreg $0xFFFFFFFF;
	(pc) =	sbr.abs _section_cstart, $3  }
0xc7: {  	[dreg:$0x1] =	wrdreg $0xFFFFFFFF  }
0xc8: {  	_ =	task.clear_ibuf [dreg:s8], $0x2FFFF;
	_ =	strace $0x9FFFFFFF  }
0xc9: {  	(tm) =	ssettm $0x7FFFFFFF  }
tec
execute0_lowered:
.L_overlay_start_1:
0x0: {  	(tag) =	ssettag $0x1  }
0x1: {  	s5 =	rddreg [dreg:$0x0]  }
0x2: {  	s8 =	rddreg [dreg:$0x1]  }
0x3: {  	s9 =	rddreg [dreg:$0x2]  }
0x4: {  	s0 =	rddreg [dreg:$0x3];
	s3 =	srdreg.scid  }
0x5: {  	s1 =	stileid.u32;
	s2 =	simm.s32 $0x0;
	s13 =	simm.s32 $0x2780  }
0x6: {  	s14 =	simm.s32 $0x50;
	s15 =	simm.s32 $0x4F00;
	s16 =	simm.s32 $0x7700  }
0x7: {  	s17 =	simm.s32 $0x9F00;
	s18 =	simm.s32 $0xC700;
	s19 =	simm.s32 $0x1  }
0x8: {  	s20 =	simm.s32 $0x2;
	s21 =	simm.s32 $0xF000;
	s22 =	simm.s32 $0x11780  }
0x9: {  	s23 =	simm.s32 $0x0;
	s3 =	sand.u32 $0x1, s3;
	s4 =	sshll.u32 s1, $0x1  }
0xa: {  	[smem:$0x7FF] =	sst s2;
	s4 =	sor.u32 s3, s4;
	s6 =	ssub.s32 $0x2, s3  }
0xb: {  	v0 =	vlaneseq.u32;
	_ =	strace $0x80000047;
	s10 =	smul.u32 $0x4E2, s4;
	s7 =	sshrl.u32 s6, $0x1  }
0xc: {  	v1 =	vmul.u32 $0x80, v0;
	s3 =	sadd.s32 $0x14C00, s5;
	s4 =	sadd.s32 $0x3BE00, s5;
	s12 =	ssub.s32 s6, s7  }
0xd: {  	s11 =	sadd.s32 s10, s5;
	s5 =	sadd.s32 $0x63000, s5;
	s8 =	sadd.s32 s8, s10  }
0xe: {  	v2 =	vor.u32 $0x800, v1;
	s9 =	sadd.s32 s9, s10;
	s10 =	smax.u32 s12, $0x1;
	s12 =	simm.s32 $0x3  }
0xf: {  	v3 =	vor.u32 $0x1000, v1;
	v4 =	vor.u32 $0x1800, v1;
	v5 =	vor.u32 $0x2000, v1;
	s6 =	sadd.s32 $0xAE00, s11;
	s7 =	sadd.s32 $0x1000, s11;
	s11 =	simm.s32 $0xEF00  }
.LBB2_1:
0x10: {  	[tilespmem:s11], [sflag:$0x3] =	stream.linear.gather [hbm4b:s5+s2], $0x100, $0x38;
	[tilespmem:$0x13F00] =	vst v63  }
0x11: {  	_ =	swait.ge [sflag:s12], $0x100  }
0x12: {  	[sflag:s12] =	ssyncset.done $0x0  }
0x13: {  	[sflag:s12] =	ssyncadd.s32 $0xFFFFFF00  }
0x14: {  	[tilespmem:s2], [sflag:$0x3] =	stream.linear.gather [hbm4b:s6+s2], $0x2710, $0x38;
	[tilespmem:$0x13F00] =	vst v63  }
0x15: {  	_ =	swait.ge [sflag:s12], $0x2710  }
0x16: {  	[sflag:s12] =	ssyncset.done $0x0  }
0x17: {  	[sflag:s12] =	ssyncadd.s32 $0xFFFFD8F0  }
0x18: {  	[tilespmem:s13], [sflag:$0x3] =	stream.linear.gather [hbm4b:s7+s2], $0x2710, $0x38;
	[tilespmem:$0x13F00] =	vst v63  }
0x19: {  	_ =	swait.ge [sflag:s12], $0x2710  }
0x1a: {  	[sflag:s12] =	ssyncset.done $0x0  }
0x1b: {  	[sflag:s12] =	ssyncadd.s32 $0xFFFFD8F0  }
0x1c: {  	v6 =	vld [tilespmem:$0xEF80];
	_ =	sdelay $0x1  }
0x1d: {  	[tilespmem:s15], [sflag:$0x1] =	stream.indirect.gather [hbm4b:s3+s14], $0x80, s2, s14, $0xb8;
	[tilespmem:$0x13F00] =	vst v63  }
0x1e: {  	s24 =	simm.s32 $0x0  }
0x1f: {  	[tilespmem:s16], [sflag:$0x1] =	stream.indirect.gather [hbm4b:s4+s14], $0x80, s13, s14, $0xb8;
	[tilespmem:$0x13F00] =	vst v63  }
.LBB2_2:
0x20: {  	s25 =	smul.u32 $0xA0, s24;
	_ =	sdelay $0x1  }
0x21: {  	s26 =	sadd.s32 $0x50, s25  }
0x22: {  	[tilespmem:s17], [sflag:$0x2] =	stream.indirect.gather [hbm4b:s3+s14], $0x80, s26, s14, $0xb8;
	[tilespmem:$0x13F00] =	vst v63  }
0x23: {  	s28 =	sadd.s32 $0x27D0, s25  }
0x24: {  	[tilespmem:s18], [sflag:$0x2] =	stream.indirect.gather [hbm4b:s4+s14], $0x80, s28, s14, $0xb8;
	[tilespmem:$0x13F00] =	vst v63  }
0x25: {  	s28 =	simm.s32 $0x0  }
0x26: {  	_ =	swait.ge [sflag:s19], $0x2800;
	v7 =	vadd.s32 s28, v0  }
0x27: {  	[sflag:s19] =	ssyncset.done $0x0;
	v12 =	vand.u32 $0x7F, v7  }
0x28: {  	s28 =	simm.s32 $0x1;
	[sflag:s19] =	ssyncadd.s32 $0xFFFFD800;
	v13 =	vor.u32 v3, v12  }
0x29: {  	v7 =	vadd.s32 s28, v0;
	v9 =	vor.u32 v5, v12;
	_ =	swait.ge [sflag:s19], $0x2800  }
0x2a: {  	v15 =	vand.u32 $0x7F, v7;
	[sflag:s19] =	ssyncset.done $0x0  }
0x2b: {  	[sflag:s19] =	ssyncadd.s32 $0xFFFFD800  }
0x2c: {  	v8 =	vld.idx.msk [tilespmem:v12+s11+$0x0], $0xffff  }
0x2d: {  	v16 =	vor.u32 v2, v12;
	v18 =	vld.idx.msk [tilespmem:v13+s15+$0x0], $0xffff  }
0x2e: {  	v10 =	vor.u32 v4, v15;
	v14 =	vld.idx.msk [tilespmem:v9+s15+$0x0], $0xffff  }
0x2f: {  	v11 =	vor.u32 v2, v15;
	v7 =	vld.idx.msk [tilespmem:v15+s11+$0x0], $0xffff  }
0x30: {  	v17 =	vld.idx.msk [tilespmem:v9+s16+$0x0], $0xffff  }
0x31: {  	v19 =	vor.u32 v5, v15;
	v27 =	vld.idx.msk [tilespmem:v13+s16+$0x0], $0xffff  }
0x32: {  	v20 =	vor.u32 v3, v15;
	v26 =	vld.idx.msk [tilespmem:v16+s15+$0x0], $0xffff  }
0x33: {  	v9 =	vld.idx.msk [tilespmem:v10+s15+$0x0], $0xffff  }
0x34: {  	v21 =	vld.idx.msk [tilespmem:v11+s16+$0x0], $0xffff  }
0x35: {  	v25 =	vld.idx.msk [tilespmem:v11+s15+$0x0], $0xffff  }
0x36: {  	v11 =	vor.u32 v4, v12;
	v13 =	vld.idx.msk [tilespmem:v19+s15+$0x0], $0xffff;
	v17 =	vadd.f32 v17, v14  }
0x37: {  	v23 =	vld.idx.msk [tilespmem:v20+s15+$0x0], $0xffff  }
0x38: {  	v14 =	vld.idx.msk [tilespmem:v19+s16+$0x0], $0xffff;
	v19 =	vmax.f32 v17, $0.0e+00  }
0x39: {  	v28 =	vor.u32 v1, v15;
	v24 =	vld.idx.msk [tilespmem:v20+s16+$0x0], $0xffff;
	v20 =	vor.u32 v1, v12  }
0x3a: {  	v15 =	vmov v6;
	v10 =	vld.idx.msk [tilespmem:v10+s16+$0x0], $0xffff;
	v27 =	vadd.f32 v27, v18;
	v22 =	vmul.f32 v19, v8  }
0x3b: {  	s28 =	simm.s32 $0x2;
	v12 =	vmovc v6;
	v18 =	vmovc v6;
	v25 =	vadd.f32 v21, v25;
	v21 =	vmov v6;
	v17 =	vld.idx.msk [tilespmem:v11+s16+$0x0], $0xffff;
	v19 =	vmov v6  }
.LBB2_3:
0x3c: {  	v29 =	vadd.s32 s28, v0;
	s29 =	sadd.s32 $0x1, s28;
	p0 =	slt.u32 s28, $0x7E;
	s28 =	sadd.s32 $0x2, s28;
	v30 =	vld.idx.msk [tilespmem:v16+s16+$0x0], $0xffff;
	v15 =	vadd.f32 v22, v15  }
0x3d: {  	v22 =	vand.u32 $0x7F, v29;
	v29 =	vadd.s32 s29, v0;
	v27 =	vmax.f32 v27, $0.0e+00;
	v31 =	vld.idx.msk [tilespmem:v11+s15+$0x0], $0xffff  }
0x3e: {  	v16 =	vor.u32 v2, v22;
	v32 =	vor.u32 v3, v22;
	v33 =	vld.idx.msk [tilespmem:v20+s15+$0x0], $0xffff;
	v27 =	vmul.f32 v27, v8  }
0x3f: {  	v13 =	vadd.f32 v14, v13;
	v34 =	vor.u32 v1, v22;
	v35 =	vor.u32 v5, v22;
	v36 =	vld.idx.msk [tilespmem:v28+s15+$0x0], $0xffff  }
0x40: {  	v11 =	vor.u32 v4, v22;
	v29 =	vand.u32 $0x7F, v29;
	v23 =	vadd.f32 v24, v23;
	v14 =	vld.idx.msk [tilespmem:v28+s16+$0x0], $0xffff  }
0x41: {  	v24 =	vor.u32 v3, v29;
	v28 =	vor.u32 v5, v29;
	v19 =	vadd.f32 v27, v19;
	v37 =	vld.idx.msk [tilespmem:v20+s16+$0x0], $0xffff  }
0x42: {  	v38 =	vor.u32 v4, v29;
	v27 =	vor.u32 v2, v29;
	v23 =	vmax.f32 v23, $0.0e+00;
	v20 =	vmovc v34;
	v22 =	vld.idx.msk [tilespmem:v22+s11+$0x0], $0xffff  }
0x43: {  	v25 =	vmax.f32 v25, $0.0e+00;
	v9 =	vadd.f32 v10, v9;
	v26 =	vadd.f32 v30, v26;
	v34 =	vld.idx.msk [tilespmem:v32+s15+$0x0], $0xffff  }
0x44: {  	v13 =	vmax.f32 v13, $0.0e+00;
	v10 =	vadd.f32 v17, v31;
	v17 =	vmul.f32 v25, v7;
	v30 =	vld.idx.msk [tilespmem:v35+s15+$0x0], $0xffff  }
0x45: {  	v9 =	vmax.f32 v9, $0.0e+00;
	v23 =	vmul.f32 v23, v7;
	v26 =	vmax.f32 v26, $0.0e+00;
	v25 =	vld.idx.msk [tilespmem:v29+s11+$0x0], $0xffff  }
0x46: {  	v13 =	vmul.f32 v13, v7;
	v10 =	vmax.f32 v10, $0.0e+00;
	v31 =	vld.idx.msk [tilespmem:v35+s16+$0x0], $0xffff;
	v35 =	vmul.f32 v9, v7  }
0x47: {  	v14 =	vadd.f32 v14, v36;
	v33 =	vadd.f32 v37, v33;
	v37 =	vmul.f32 v10, v8;
	v9 =	vld.idx.msk [tilespmem:v38+s15+$0x0], $0xffff  }
0x48: {  	v15 =	vadd.f32 v13, v15;
	v19 =	vadd.f32 v23, v19;
	v26 =	vmul.f32 v26, v8;
	v10 =	vld.idx.msk [tilespmem:v38+s16+$0x0], $0xffff  }
0x49: {  	v14 =	vmax.f32 v14, $0.0e+00;
	v13 =	vmax.f32 v33, $0.0e+00;
	v36 =	vld.idx.msk [tilespmem:v27+s16+$0x0], $0xffff  }
0x4a: {  	v18 =	vadd.f32 v26, v18;
	v12 =	vadd.f32 v37, v12;
	v26 =	vmul.f32 v14, v7;
	v27 =	vld.idx.msk [tilespmem:v27+s15+$0x0], $0xffff  }
0x4b: {  	v23 =	vmul.f32 v13, v8;
	v8 =	vmov v22;
	v7 =	vmov v25;
	v32 =	vld.idx.msk [tilespmem:v32+s16+$0x0], $0xffff  }
0x4c: {  	v18 =	vadd.f32 v17, v18;
	v12 =	vadd.f32 v35, v12;
	v13 =	vld.idx.msk [tilespmem:v28+s15+$0x0], $0xffff  }
.Ltmp0:
0x4d: {  	v17 =	vadd.f32 v31, v30;
	v21 =	vadd.f32 v23, v21;
	v14 =	vld.idx.msk [tilespmem:v28+s16+$0x0], $0xffff;
	(pc) =	sbr.rel @p0 .LBB2_3-.Ltmp0, $4  }
0x4e: {  	v23 =	vld.idx.msk [tilespmem:v24+s15+$0x0], $0xffff  }
0x4f: {  	v22 =	vmax.f32 v17, $0.0e+00;
	v21 =	vadd.f32 v26, v21;
	v24 =	vld.idx.msk [tilespmem:v24+s16+$0x0], $0xffff  }
0x50: {  	v28 =	vor.u32 v1, v29;
	v22 =	vmul.f32 v22, v8;
	v25 =	vadd.f32 v36, v27;
	v17 =	vld.idx.msk [tilespmem:v11+s16+$0x0], $0xffff  }
0x51: {  	v27 =	vadd.f32 v32, v34;
	v26 =	vld.idx.msk [tilespmem:v16+s15+$0x0], $0xffff  }
0x52: {  	_ =	sdelay $0x3  }
0x53: {  	v29 =	vld.idx.msk [tilespmem:v20+s15+$0x0], $0xffff  }
0x54: {  	v20 =	vld.idx.msk [tilespmem:v20+s16+$0x0], $0xffff  }
0x55: {  	v30 =	vld.idx.msk [tilespmem:v28+s15+$0x0], $0xffff  }
0x56: {  	v28 =	vld.idx.msk [tilespmem:v28+s16+$0x0], $0xffff;
	_ =	sdelay $0x2  }
0x57: {  	v20 =	vadd.f32 v20, v29;
	_ =	sdelay $0x1  }
0x58: {  	v28 =	vadd.f32 v28, v30;
	v20 =	vmax.f32 v20, $0.0e+00  }
0x59: {  	v20 =	vmul.f32 v20, v8  }
0x5a: {  	v28 =	vmax.f32 v28, $0.0e+00  }
0x5b: {  	v28 =	vmul.f32 v28, v7;
	v20 =	vadd.f32 v20, v21;
	_ =	sdelay $0x1  }
0x5c: {  	v20 =	vadd.f32 v28, v20;
	_ =	sdelay $0x1  }
0x5d: {  	v21 =	vsub.f32 $0.0e+00, v20;
	_ =	sdelay $0x1  }
0x5e: {  	v21 =	vmul.f32 $1.442695020e+00, v21;
	_ =	sdelay $0x1  }
0x5f: {  	(erf) = vpow2.f32 v21;
	_ =	sdelay $0x7  }
0x60: {  	v16 =	vld.idx.msk [tilespmem:v16+s16+$0x0], $0xffff  }
0x61: {  	v21 =	vpop (erf)  }
0x62: {  	v21 =	vadd.f32 $1.000000000e+00, v21  }
0x63: {  	v20 =	vmul.f32 $1.442695020e+00, v20  }
0x64: {  	(erf) = vrcp.f32 v21  }
0x65: {  	v16 =	vadd.f32 v16, v26;
	(erf) = vpow2.f32 v20;
	_ =	sdelay $0x1  }
0x66: {  	v16 =	vmax.f32 v16, $0.0e+00  }
0x67: {  	v16 =	vmul.f32 v16, v8  }
0x68: {  	v20 =	vmax.f32 v25, $0.0e+00  }
0x69: {  	v16 =	vadd.f32 v16, v18;
	v20 =	vmul.f32 v20, v7;
	_ =	sdelay $0x1  }
0x6a: {  	v16 =	vadd.f32 v20, v16  }
0x6b: {  	v18 =	vpop (erf)  }
0x6c: {  	v21 =	vsub.f32 $0.0e+00, v16;
	v20 =	vpop (erf)  }
0x6d: {  	v20 =	vadd.f32 $1.000000000e+00, v20  }
0x6e: {  	v21 =	vmul.f32 $1.442695020e+00, v21  }
0x6f: {  	(erf) = vrcp.f32 v20  }
0x70: {  	(erf) = vpow2.f32 v21;
	_ =	sdelay $0x7  }
0x71: {  	v20 =	vpop (erf)  }
0x72: {  	v21 =	vpop (erf)  }
0x73: {  	v21 =	vadd.f32 $1.000000000e+00, v21  }
0x74: {  	v16 =	vmul.f32 $1.442695020e+00, v16  }
0x75: {  	(erf) = vrcp.f32 v21  }
0x76: {  	(erf) = vpow2.f32 v16  }
0x77: {  	v21 =	vadd.f32 v24, v23;
	v16 =	vmax.f32 v27, $0.0e+00  }
0x78: {  	v16 =	vmul.f32 v16, v8  }
0x79: {  	v21 =	vmax.f32 v21, $0.0e+00  }
0x7a: {  	v16 =	vadd.f32 v16, v19;
	v19 =	vmul.f32 v21, v7;
	_ =	sdelay $0x2  }
0x7b: {  	v16 =	vadd.f32 v19, v16  }
0x7c: {  	v19 =	vpop (erf)  }
0x7d: {  	v23 =	vsub.f32 $0.0e+00, v16;
	v21 =	vpop (erf)  }
0x7e: {  	v21 =	vadd.f32 $1.000000000e+00, v21  }
0x7f: {  	v23 =	vmul.f32 $1.442695020e+00, v23  }
0x80: {  	(erf) = vrcp.f32 v21  }
0x81: {  	(erf) = vpow2.f32 v23;
	_ =	sdelay $0x7  }
0x82: {  	v11 =	vld.idx.msk [tilespmem:v11+s15+$0x0], $0xffff;
	v21 =	vpop (erf)  }
0x83: {  	v23 =	vpop (erf)  }
0x84: {  	v23 =	vadd.f32 $1.000000000e+00, v23  }
0x85: {  	v16 =	vmul.f32 $1.442695020e+00, v16  }
0x86: {  	(erf) = vrcp.f32 v23  }
0x87: {  	v11 =	vadd.f32 v17, v11;
	(erf) = vpow2.f32 v16  }
0x88: {  	v9 =	vadd.f32 v10, v9  }
0x89: {  	v10 =	vmax.f32 v11, $0.0e+00  }
0x8a: {  	v9 =	vmax.f32 v9, $0.0e+00;
	v8 =	vmul.f32 v10, v8  }
0x8b: {  	v9 =	vmul.f32 v9, v7  }
0x8c: {  	v8 =	vadd.f32 v8, v12;
	_ =	sdelay $0x1  }
0x8d: {  	v8 =	vadd.f32 v9, v8  }
0x8e: {  	v9 =	vpop (erf)  }
0x8f: {  	v11 =	vsub.f32 $0.0e+00, v8;
	v10 =	vpop (erf)  }
0x90: {  	v10 =	vadd.f32 $1.000000000e+00, v10  }
0x91: {  	v11 =	vmul.f32 $1.442695020e+00, v11  }
0x92: {  	(erf) = vrcp.f32 v10  }
0x93: {  	(erf) = vpow2.f32 v11;
	_ =	sdelay $0x7  }
0x94: {  	v10 =	vpop (erf)  }
0x95: {  	v11 =	vpop (erf)  }
0x96: {  	v11 =	vadd.f32 $1.000000000e+00, v11  }
0x97: {  	v8 =	vmul.f32 $1.442695020e+00, v8  }
0x98: {  	(erf) = vrcp.f32 v11  }
0x99: {  	(erf) = vpow2.f32 v8;
	_ =	sdelay $0x1  }
0x9a: {  	v8 =	vadd.f32 v14, v13;
	_ =	sdelay $0x1  }
0x9b: {  	v8 =	vmax.f32 v8, $0.0e+00  }
0x9c: {  	v11 =	vadd.f32 v22, v15;
	v7 =	vmul.f32 v8, v7;
	_ =	sdelay $0x1  }
0x9d: {  	v7 =	vadd.f32 v7, v11  }
0x9e: {  	v8 =	vpop (erf)  }
0x9f: {  	v12 =	vsub.f32 $0.0e+00, v7;
	v11 =	vpop (erf)  }
0xa0: {  	v11 =	vadd.f32 $1.000000000e+00, v11  }
0xa1: {  	v12 =	vmul.f32 $1.442695020e+00, v12  }
0xa2: {  	(erf) = vrcp.f32 v11  }
0xa3: {  	(erf) = vpow2.f32 v12;
	_ =	sdelay $0x7  }
0xa4: {  	v11 =	vpop (erf)  }
0xa5: {  	v12 =	vpop (erf)  }
0xa6: {  	v12 =	vadd.f32 $1.000000000e+00, v12  }
0xa7: {  	v7 =	vmul.f32 $1.442695020e+00, v7  }
0xa8: {  	(erf) = vrcp.f32 v12  }
0xa9: {  	(erf) = vpow2.f32 v7;
	_ =	sdelay $0x7  }
0xaa: {  	v7 =	vpop (erf)  }
0xab: {  	v12 =	vpop (erf)  }
0xac: {  	v12 =	vadd.f32 $1.000000000e+00, v12;
	_ =	sdelay $0x1  }
0xad: {  	(erf) = vrcp.f32 v12  }
0xae: {  	[tilespmem:s25+$0xF000] =	vst v18  }
0xaf: {  	[tilespmem:s25+$0x11780] =	vst v20  }
0xb0: {  	[tilespmem:s25+$0xF010] =	vst v19  }
0xb1: {  	[tilespmem:s25+$0x11790] =	vst v21  }
0xb2: {  	[tilespmem:s25+$0xF020] =	vst v9  }
0xb3: {  	[tilespmem:s25+$0x117A0] =	vst v10  }
0xb4: {  	[tilespmem:s25+$0xF030] =	vst v8  }
0xb5: {  	[tilespmem:s25+$0x117B0] =	vst v11  }
0xb6: {  	[tilespmem:s25+$0xF040] =	vst v7;
	v7 =	vpop (erf)  }
0xb7: {  	s28 =	sadd.s32 $0xA0, s25;
	[tilespmem:s25+$0x117C0] =	vst v7  }
0xb8: {  	[tilespmem:s15], [sflag:$0x1] =	stream.indirect.gather [hbm4b:s3+s14], $0x80, s28, s14, $0xb8;
	[tilespmem:$0x13F00] =	vst v63  }
0xb9: {  	s28 =	sadd.s32 $0x2820, s25  }
0xba: {  	[tilespmem:s16], [sflag:$0x1] =	stream.indirect.gather [hbm4b:s4+s14], $0x80, s28, s14, $0xb8;
	[tilespmem:$0x13F00] =	vst v63  }
0xbb: {  	s28 =	simm.s32 $0x0  }
0xbc: {  	_ =	swait.ge [sflag:s20], $0x2800;
	v7 =	vadd.s32 s28, v0  }
0xbd: {  	[sflag:s20] =	ssyncset.done $0x0;
	v12 =	vand.u32 $0x7F, v7  }
0xbe: {  	s28 =	simm.s32 $0x1;
	[sflag:s20] =	ssyncadd.s32 $0xFFFFD800;
	v13 =	vor.u32 v3, v12  }
0xbf: {  	v7 =	vadd.s32 s28, v0;
	v9 =	vor.u32 v5, v12;
	_ =	swait.ge [sflag:s20], $0x2800  }
0xc0: {  	v15 =	vand.u32 $0x7F, v7;
	[sflag:s20] =	ssyncset.done $0x0  }
0xc1: {  	[sflag:s20] =	ssyncadd.s32 $0xFFFFD800  }
0xc2: {  	v8 =	vld.idx.msk [tilespmem:v12+s11+$0x0], $0xffff  }
0xc3: {  	v16 =	vor.u32 v2, v12;
	v18 =	vld.idx.msk [tilespmem:v13+s17+$0x0], $0xffff  }
0xc4: {  	v10 =	vor.u32 v4, v15;
	v14 =	vld.idx.msk [tilespmem:v9+s17+$0x0], $0xffff  }
0xc5: {  	v11 =	vor.u32 v2, v15;
	v7 =	vld.idx.msk [tilespmem:v15+s11+$0x0], $0xffff  }
0xc6: {  	v17 =	vld.idx.msk [tilespmem:v9+s18+$0x0], $0xffff  }
0xc7: {  	v19 =	vor.u32 v5, v15;
	v27 =	vld.idx.msk [tilespmem:v13+s18+$0x0], $0xffff  }
0xc8: {  	v20 =	vor.u32 v3, v15;
	v26 =	vld.idx.msk [tilespmem:v16+s17+$0x0], $0xffff  }
0xc9: {  	v9 =	vld.idx.msk [tilespmem:v10+s17+$0x0], $0xffff  }
0xca: {  	v21 =	vld.idx.msk [tilespmem:v11+s18+$0x0], $0xffff  }
0xcb: {  	v25 =	vld.idx.msk [tilespmem:v11+s17+$0x0], $0xffff  }
0xcc: {  	v11 =	vor.u32 v4, v12;
	v13 =	vld.idx.msk [tilespmem:v19+s17+$0x0], $0xffff;
	v17 =	vadd.f32 v17, v14  }
0xcd: {  	v23 =	vld.idx.msk [tilespmem:v20+s17+$0x0], $0xffff  }
0xce: {  	v14 =	vld.idx.msk [tilespmem:v19+s18+$0x0], $0xffff;
	v19 =	vmax.f32 v17, $0.0e+00  }
0xcf: {  	v28 =	vor.u32 v1, v15;
	v24 =	vld.idx.msk [tilespmem:v20+s18+$0x0], $0xffff;
	v20 =	vor.u32 v1, v12  }
0xd0: {  	v15 =	vmov v6;
	v10 =	vld.idx.msk [tilespmem:v10+s18+$0x0], $0xffff;
	v27 =	vadd.f32 v27, v18;
	v22 =	vmul.f32 v19, v8  }
0xd1: {  	s28 =	simm.s32 $0x2;
	v12 =	vmovc v6;
	v18 =	vmovc v6;
	v25 =	vadd.f32 v21, v25;
	v21 =	vmov v6;
	v17 =	vld.idx.msk [tilespmem:v11+s18+$0x0], $0xffff;
	v19 =	vmov v6  }
.LBB2_5:
0xd2: {  	v29 =	vadd.s32 s28, v0;
	s29 =	sadd.s32 $0x1, s28;
	p0 =	slt.u32 s28, $0x7E;
	s28 =	sadd.s32 $0x2, s28;
	v30 =	vld.idx.msk [tilespmem:v16+s18+$0x0], $0xffff;
	v15 =	vadd.f32 v22, v15  }
0xd3: {  	v22 =	vand.u32 $0x7F, v29;
	v29 =	vadd.s32 s29, v0;
	v27 =	vmax.f32 v27, $0.0e+00;
	v31 =	vld.idx.msk [tilespmem:v11+s17+$0x0], $0xffff  }
0xd4: {  	v16 =	vor.u32 v2, v22;
	v32 =	vor.u32 v3, v22;
	v33 =	vld.idx.msk [tilespmem:v20+s17+$0x0], $0xffff;
	v27 =	vmul.f32 v27, v8  }
0xd5: {  	v13 =	vadd.f32 v14, v13;
	v34 =	vor.u32 v1, v22;
	v35 =	vor.u32 v5, v22;
	v36 =	vld.idx.msk [tilespmem:v28+s17+$0x0], $0xffff  }
0xd6: {  	v11 =	vor.u32 v4, v22;
	v29 =	vand.u32 $0x7F, v29;
	v23 =	vadd.f32 v24, v23;
	v14 =	vld.idx.msk [tilespmem:v28+s18+$0x0], $0xffff  }
0xd7: {  	v24 =	vor.u32 v3, v29;
	v28 =	vor.u32 v5, v29;
	v19 =	vadd.f32 v27, v19;
	v37 =	vld.idx.msk [tilespmem:v20+s18+$0x0], $0xffff  }
0xd8: {  	v38 =	vor.u32 v4, v29;
	v27 =	vor.u32 v2, v29;
	v23 =	vmax.f32 v23, $0.0e+00;
	v20 =	vmovc v34;
	v22 =	vld.idx.msk [tilespmem:v22+s11+$0x0], $0xffff  }
0xd9: {  	v25 =	vmax.f32 v25, $0.0e+00;
	v9 =	vadd.f32 v10, v9;
	v26 =	vadd.f32 v30, v26;
	v34 =	vld.idx.msk [tilespmem:v32+s17+$0x0], $0xffff  }
0xda: {  	v13 =	vmax.f32 v13, $0.0e+00;
	v10 =	vadd.f32 v17, v31;
	v17 =	vmul.f32 v25, v7;
	v30 =	vld.idx.msk [tilespmem:v35+s17+$0x0], $0xffff  }
0xdb: {  	v9 =	vmax.f32 v9, $0.0e+00;
	v23 =	vmul.f32 v23, v7;
	v26 =	vmax.f32 v26, $0.0e+00;
	v25 =	vld.idx.msk [tilespmem:v29+s11+$0x0], $0xffff  }
0xdc: {  	v13 =	vmul.f32 v13, v7;
	v10 =	vmax.f32 v10, $0.0e+00;
	v31 =	vld.idx.msk [tilespmem:v35+s18+$0x0], $0xffff;
	v35 =	vmul.f32 v9, v7  }
0xdd: {  	v14 =	vadd.f32 v14, v36;
	v33 =	vadd.f32 v37, v33;
	v37 =	vmul.f32 v10, v8;
	v9 =	vld.idx.msk [tilespmem:v38+s17+$0x0], $0xffff  }
0xde: {  	v15 =	vadd.f32 v13, v15;
	v19 =	vadd.f32 v23, v19;
	v26 =	vmul.f32 v26, v8;
	v10 =	vld.idx.msk [tilespmem:v38+s18+$0x0], $0xffff  }
0xdf: {  	v14 =	vmax.f32 v14, $0.0e+00;
	v13 =	vmax.f32 v33, $0.0e+00;
	v36 =	vld.idx.msk [tilespmem:v27+s18+$0x0], $0xffff  }
0xe0: {  	v18 =	vadd.f32 v26, v18;
	v12 =	vadd.f32 v37, v12;
	v26 =	vmul.f32 v14, v7;
	v27 =	vld.idx.msk [tilespmem:v27+s17+$0x0], $0xffff  }
0xe1: {  	v23 =	vmul.f32 v13, v8;
	v8 =	vmov v22;
	v7 =	vmov v25;
	v32 =	vld.idx.msk [tilespmem:v32+s18+$0x0], $0xffff  }
0xe2: {  	v18 =	vadd.f32 v17, v18;
	v12 =	vadd.f32 v35, v12;
	v13 =	vld.idx.msk [tilespmem:v28+s17+$0x0], $0xffff  }
.Ltmp1:
0xe3: {  	v17 =	vadd.f32 v31, v30;
	v21 =	vadd.f32 v23, v21;
	v14 =	vld.idx.msk [tilespmem:v28+s18+$0x0], $0xffff;
	(pc) =	sbr.rel @p0 .LBB2_5-.Ltmp1, $4  }
0xe4: {  	v23 =	vld.idx.msk [tilespmem:v24+s17+$0x0], $0xffff  }
0xe5: {  	v22 =	vmax.f32 v17, $0.0e+00;
	v21 =	vadd.f32 v26, v21;
	v24 =	vld.idx.msk [tilespmem:v24+s18+$0x0], $0xffff  }
0xe6: {  	v28 =	vor.u32 v1, v29;
	v22 =	vmul.f32 v22, v8;
	v25 =	vadd.f32 v36, v27;
	v17 =	vld.idx.msk [tilespmem:v11+s18+$0x0], $0xffff  }
0xe7: {  	v27 =	vadd.f32 v32, v34;
	v26 =	vld.idx.msk [tilespmem:v16+s17+$0x0], $0xffff  }
0xe8: {  	_ =	sdelay $0x3  }
0xe9: {  	v29 =	vld.idx.msk [tilespmem:v20+s17+$0x0], $0xffff  }
0xea: {  	v43 =	vld.idx.msk [tilespmem:v20+s18+$0x0], $0xffff  }
0xeb: {  	v30 =	vld.idx.msk [tilespmem:v28+s17+$0x0], $0xffff  }
0xec: {  	v44 =	vld.idx.msk [tilespmem:v28+s18+$0x0], $0xffff;
	_ =	sdelay $0x2  }
0xed: {  	v20 =	vadd.f32 v43, v29;
	_ =	sdelay $0x1  }
0xee: {  	v28 =	vadd.f32 v44, v30;
	v20 =	vmax.f32 v20, $0.0e+00  }
0xef: {  	v20 =	vmul.f32 v20, v8  }
0xf0: {  	v28 =	vmax.f32 v28, $0.0e+00  }
0xf1: {  	v28 =	vmul.f32 v28, v7;
	v20 =	vadd.f32 v20, v21;
	_ =	sdelay $0x1  }
0xf2: {  	v20 =	vadd.f32 v28, v20;
	_ =	sdelay $0x1  }
0xf3: {  	v45 =	vsub.f32 $0.0e+00, v20;
	_ =	sdelay $0x1  }
0xf4: {  	v21 =	vmul.f32 $1.442695020e+00, v45;
	_ =	sdelay $0x1  }
0xf5: {  	(erf) = vpow2.f32 v21;
	_ =	sdelay $0x7  }
0xf6: {  	v16 =	vld.idx.msk [tilespmem:v16+s18+$0x0], $0xffff  }
0xf7: {  	v21 =	vpop (erf)  }
0xf8: {  	v21 =	vadd.f32 $1.000000000e+00, v21  }
0xf9: {  	v20 =	vmul.f32 $1.442695020e+00, v20  }
0xfa: {  	(erf) = vrcp.f32 v21  }
0xfb: {  	v16 =	vadd.f32 v16, v26;
	(erf) = vpow2.f32 v20;
	_ =	sdelay $0x1  }
0xfc: {  	v16 =	vmax.f32 v16, $0.0e+00  }
0xfd: {  	v16 =	vmul.f32 v16, v8  }
0xfe: {  	v46 =	vmax.f32 v25, $0.0e+00  }
0xff: {  	v16 =	vadd.f32 v16, v18;
	v20 =	vmul.f32 v46, v7;
	_ =	sdelay $0x1  }
0x100: {  	v16 =	vadd.f32 v20, v16  }
0x101: {  	v47 =	vpop (erf)  }
0x102: {  	v49 =	vsub.f32 $0.0e+00, v16;
	v48 =	vpop (erf)  }
0x103: {  	v20 =	vadd.f32 $1.000000000e+00, v48  }
0x104: {  	v21 =	vmul.f32 $1.442695020e+00, v49  }
0x105: {  	(erf) = vrcp.f32 v20  }
0x106: {  	(erf) = vpow2.f32 v21;
	_ =	sdelay $0x7  }
0x107: {  	v20 =	vpop (erf)  }
0x108: {  	v21 =	vpop (erf)  }
0x109: {  	v21 =	vadd.f32 $1.000000000e+00, v21  }
0x10a: {  	v16 =	vmul.f32 $1.442695020e+00, v16  }
0x10b: {  	(erf) = vrcp.f32 v21  }
0x10c: {  	(erf) = vpow2.f32 v16;
	_ =	sdelay $0x1  }
0x10d: {  	v50 =	vmax.f32 v27, $0.0e+00;
	v51 =	vadd.f32 v24, v23  }
0x10e: {  	v16 =	vmul.f32 v50, v8  }
0x10f: {  	v21 =	vmax.f32 v51, $0.0e+00  }
0x110: {  	v52 =	vmul.f32 v21, v7;
	v16 =	vadd.f32 v16, v19;
	_ =	sdelay $0x1  }
0x111: {  	v16 =	vadd.f32 v52, v16  }
0x112: {  	v53 =	vpop (erf)  }
0x113: {  	v55 =	vsub.f32 $0.0e+00, v16;
	v54 =	vpop (erf)  }
0x114: {  	v21 =	vadd.f32 $1.000000000e+00, v54  }
0x115: {  	v23 =	vmul.f32 $1.442695020e+00, v55  }
0x116: {  	(erf) = vrcp.f32 v21  }
0x117: {  	(erf) = vpow2.f32 v23;
	_ =	sdelay $0x7  }
0x118: {  	v11 =	vld.idx.msk [tilespmem:v11+s17+$0x0], $0xffff;
	v21 =	vpop (erf)  }
0x119: {  	v23 =	vpop (erf)  }
0x11a: {  	v23 =	vadd.f32 $1.000000000e+00, v23  }
0x11b: {  	v16 =	vmul.f32 $1.442695020e+00, v16  }
0x11c: {  	(erf) = vrcp.f32 v23  }
0x11d: {  	v11 =	vadd.f32 v17, v11;
	(erf) = vpow2.f32 v16;
	_ =	sdelay $0x1  }
0x11e: {  	v9 =	vadd.f32 v10, v9;
	v56 =	vmax.f32 v11, $0.0e+00  }
0x11f: {  	v8 =	vmul.f32 v56, v8  }
0x120: {  	v9 =	vmax.f32 v9, $0.0e+00  }
0x121: {  	v9 =	vmul.f32 v9, v7;
	v8 =	vadd.f32 v8, v12;
	_ =	sdelay $0x1  }
0x122: {  	v8 =	vadd.f32 v9, v8  }
0x123: {  	v57 =	vpop (erf)  }
0x124: {  	v59 =	vsub.f32 $0.0e+00, v8;
	v58 =	vpop (erf)  }
0x125: {  	v10 =	vadd.f32 $1.000000000e+00, v58  }
0x126: {  	v11 =	vmul.f32 $1.442695020e+00, v59  }
0x127: {  	(erf) = vrcp.f32 v10  }
0x128: {  	(erf) = vpow2.f32 v11;
	_ =	sdelay $0x7  }
0x129: {  	v10 =	vpop (erf)  }
0x12a: {  	v11 =	vpop (erf)  }
0x12b: {  	v11 =	vadd.f32 $1.000000000e+00, v11  }
0x12c: {  	v8 =	vmul.f32 $1.442695020e+00, v8  }
0x12d: {  	(erf) = vrcp.f32 v11  }
0x12e: {  	(erf) = vpow2.f32 v8;
	_ =	sdelay $0x1  }
0x12f: {  	v8 =	vadd.f32 v14, v13;
	_ =	sdelay $0x1  }
0x130: {  	v8 =	vmax.f32 v8, $0.0e+00  }
0x131: {  	v60 =	vadd.f32 v22, v15;
	v7 =	vmul.f32 v8, v7;
	_ =	sdelay $0x1  }
0x132: {  	v7 =	vadd.f32 v7, v60  }
0x133: {  	v8 =	vpop (erf)  }
0x134: {  	v62 =	vsub.f32 $0.0e+00, v7;
	v61 =	vpop (erf)  }
0x135: {  	v11 =	vadd.f32 $1.000000000e+00, v61  }
0x136: {  	v12 =	vmul.f32 $1.442695020e+00, v62  }
0x137: {  	(erf) = vrcp.f32 v11  }
0x138: {  	(erf) = vpow2.f32 v12;
	_ =	sdelay $0x7  }
0x139: {  	v11 =	vpop (erf)  }
0x13a: {  	v12 =	vpop (erf)  }
0x13b: {  	v12 =	vadd.f32 $1.000000000e+00, v12  }
0x13c: {  	v7 =	vmul.f32 $1.442695020e+00, v7  }
0x13d: {  	(erf) = vrcp.f32 v12  }
0x13e: {  	(erf) = vpow2.f32 v7;
	_ =	sdelay $0x7  }
0x13f: {  	v7 =	vpop (erf)  }
0x140: {  	v63 =	vpop (erf)  }
0x141: {  	v12 =	vadd.f32 $1.000000000e+00, v63;
	_ =	sdelay $0x1  }
0x142: {  	(erf) = vrcp.f32 v12  }
0x143: {  	[tilespmem:s26+$0xF000] =	vst v47  }
0x144: {  	[tilespmem:s26+$0x11780] =	vst v20  }
0x145: {  	[tilespmem:s25+$0xF060] =	vst v53  }
0x146: {  	s24 =	sadd.s32 $0x1, s24;
	[tilespmem:s25+$0x117E0] =	vst v21  }
0x147: {  	p0 =	sne.s32 s24, $0x3E;
	[tilespmem:s25+$0xF070] =	vst v57  }
.Ltmp2:
0x148: {  	s31 =	sand.u32 $0x3FE0, s25;
	[tilespmem:s25+$0x117F0] =	vst v10;
	(pc) =	sbr.rel @p0 .LBB2_2-.Ltmp2, $4  }
0x149: {  	[tilespmem:s31+$0xF080] =	vst v8  }
0x14a: {  	[tilespmem:s31+$0x11800] =	vst v11  }
0x14b: {  	[tilespmem:s25+$0xF090] =	vst v7;
	v7 =	vpop (erf)  }
0x14c: {  	[tilespmem:s25+$0x11810] =	vst v7  }
0x14d: {  	s24 =	simm.s32 $0x0  }
0x14e: {  	_ =	swait.ge [sflag:s19], $0x2800;
	v7 =	vadd.s32 s24, v0  }
0x14f: {  	[sflag:s19] =	ssyncset.done $0x0;
	v12 =	vand.u32 $0x7F, v7  }
0x150: {  	s31 =	simm.s32 $0x1;
	[sflag:s19] =	ssyncadd.s32 $0xFFFFD800;
	v13 =	vor.u32 v3, v12  }
0x151: {  	v7 =	vadd.s32 s31, v0;
	_ =	swait.ge [sflag:s19], $0x2800;
	v9 =	vor.u32 v5, v12  }
0x152: {  	v17 =	vand.u32 $0x7F, v7;
	[sflag:s19] =	ssyncset.done $0x0  }
0x153: {  	[sflag:s19] =	ssyncadd.s32 $0xFFFFD800  }
0x154: {  	v8 =	vld.idx.msk [tilespmem:v12+s11+$0x0], $0xffff  }
0x155: {  	v10 =	vor.u32 v4, v17;
	v18 =	vld.idx.msk [tilespmem:v13+s15+$0x0], $0xffff  }
0x156: {  	v14 =	vld.idx.msk [tilespmem:v9+s15+$0x0], $0xffff  }
0x157: {  	v11 =	vor.u32 v2, v17;
	v7 =	vld.idx.msk [tilespmem:v17+s11+$0x0], $0xffff  }
0x158: {  	v16 =	vld.idx.msk [tilespmem:v9+s16+$0x0], $0xffff  }
0x159: {  	v19 =	vor.u32 v5, v17;
	v26 =	vld.idx.msk [tilespmem:v13+s16+$0x0], $0xffff  }
0x15a: {  	v20 =	vor.u32 v3, v17;
	v9 =	vld.idx.msk [tilespmem:v10+s15+$0x0], $0xffff  }
0x15b: {  	v10 =	vld.idx.msk [tilespmem:v10+s16+$0x0], $0xffff  }
0x15c: {  	v24 =	vld.idx.msk [tilespmem:v11+s16+$0x0], $0xffff  }
0x15d: {  	v15 =	vor.u32 v2, v12;
	v25 =	vld.idx.msk [tilespmem:v11+s15+$0x0], $0xffff  }
0x15e: {  	v11 =	vor.u32 v4, v12;
	v13 =	vld.idx.msk [tilespmem:v19+s15+$0x0], $0xffff  }
0x15f: {  	v22 =	vld.idx.msk [tilespmem:v20+s15+$0x0], $0xffff;
	v16 =	vadd.f32 v16, v14  }
0x160: {  	v23 =	vld.idx.msk [tilespmem:v20+s16+$0x0], $0xffff  }
0x161: {  	v14 =	vld.idx.msk [tilespmem:v19+s16+$0x0], $0xffff;
	v19 =	vor.u32 v1, v12;
	v21 =	vmax.f32 v16, $0.0e+00  }
0x162: {  	v27 =	vor.u32 v1, v17;
	v24 =	vadd.f32 v24, v25;
	v25 =	vld.idx.msk [tilespmem:v15+s15+$0x0], $0xffff;
	v21 =	vmul.f32 v21, v8  }
0x163: {  	s24 =	simm.s32 $0x2;
	v17 =	vmovc v6;
	v20 =	vmovc v6;
	v26 =	vadd.f32 v26, v18;
	v18 =	vmov v6;
	v12 =	vmov v6;
	v16 =	vld.idx.msk [tilespmem:v11+s16+$0x0], $0xffff  }
.LBB2_8:
0x164: {  	v28 =	vadd.s32 s24, v0;
	s25 =	sadd.s32 $0x1, s24;
	p0 =	slt.u32 s24, $0x7E;
	s24 =	sadd.s32 $0x2, s24;
	v29 =	vld.idx.msk [tilespmem:v15+s16+$0x0], $0xffff;
	v6 =	vadd.f32 v21, v6  }
0x165: {  	v21 =	vand.u32 $0x7F, v28;
	v28 =	vadd.s32 s25, v0;
	v26 =	vmax.f32 v26, $0.0e+00;
	v30 =	vld.idx.msk [tilespmem:v11+s15+$0x0], $0xffff  }
0x166: {  	v15 =	vor.u32 v2, v21;
	v31 =	vor.u32 v3, v21;
	v32 =	vld.idx.msk [tilespmem:v19+s15+$0x0], $0xffff;
	v26 =	vmul.f32 v26, v8  }
0x167: {  	v13 =	vadd.f32 v14, v13;
	v33 =	vor.u32 v1, v21;
	v34 =	vor.u32 v5, v21;
	v35 =	vld.idx.msk [tilespmem:v27+s15+$0x0], $0xffff  }
0x168: {  	v11 =	vor.u32 v4, v21;
	v28 =	vand.u32 $0x7F, v28;
	v22 =	vadd.f32 v23, v22;
	v14 =	vld.idx.msk [tilespmem:v27+s16+$0x0], $0xffff  }
0x169: {  	v23 =	vor.u32 v3, v28;
	v27 =	vor.u32 v5, v28;
	v18 =	vadd.f32 v26, v18;
	v36 =	vld.idx.msk [tilespmem:v19+s16+$0x0], $0xffff  }
0x16a: {  	v37 =	vor.u32 v4, v28;
	v26 =	vor.u32 v2, v28;
	v22 =	vmax.f32 v22, $0.0e+00;
	v19 =	vmovc v33;
	v21 =	vld.idx.msk [tilespmem:v21+s11+$0x0], $0xffff  }
0x16b: {  	v24 =	vmax.f32 v24, $0.0e+00;
	v9 =	vadd.f32 v10, v9;
	v25 =	vadd.f32 v29, v25;
	v33 =	vld.idx.msk [tilespmem:v31+s15+$0x0], $0xffff  }
0x16c: {  	v13 =	vmax.f32 v13, $0.0e+00;
	v10 =	vadd.f32 v16, v30;
	v16 =	vmul.f32 v24, v7;
	v29 =	vld.idx.msk [tilespmem:v34+s15+$0x0], $0xffff  }
0x16d: {  	v9 =	vmax.f32 v9, $0.0e+00;
	v22 =	vmul.f32 v22, v7;
	v25 =	vmax.f32 v25, $0.0e+00;
	v24 =	vld.idx.msk [tilespmem:v28+s11+$0x0], $0xffff  }
0x16e: {  	v13 =	vmul.f32 v13, v7;
	v10 =	vmax.f32 v10, $0.0e+00;
	v30 =	vld.idx.msk [tilespmem:v34+s16+$0x0], $0xffff;
	v34 =	vmul.f32 v9, v7  }
0x16f: {  	v14 =	vadd.f32 v14, v35;
	v32 =	vadd.f32 v36, v32;
	v36 =	vmul.f32 v10, v8;
	v9 =	vld.idx.msk [tilespmem:v37+s15+$0x0], $0xffff  }
0x170: {  	v6 =	vadd.f32 v13, v6;
	v18 =	vadd.f32 v22, v18;
	v25 =	vmul.f32 v25, v8;
	v10 =	vld.idx.msk [tilespmem:v37+s16+$0x0], $0xffff  }
0x171: {  	v14 =	vmax.f32 v14, $0.0e+00;
	v13 =	vmax.f32 v32, $0.0e+00;
	v35 =	vld.idx.msk [tilespmem:v26+s16+$0x0], $0xffff  }
0x172: {  	v17 =	vadd.f32 v25, v17;
	v12 =	vadd.f32 v36, v12;
	v25 =	vmul.f32 v14, v7;
	v26 =	vld.idx.msk [tilespmem:v26+s15+$0x0], $0xffff  }
0x173: {  	v22 =	vmul.f32 v13, v8;
	v8 =	vmov v21;
	v7 =	vmov v24;
	v31 =	vld.idx.msk [tilespmem:v31+s16+$0x0], $0xffff  }
0x174: {  	v17 =	vadd.f32 v16, v17;
	v12 =	vadd.f32 v34, v12;
	v13 =	vld.idx.msk [tilespmem:v27+s15+$0x0], $0xffff  }
.Ltmp3:
0x175: {  	v16 =	vadd.f32 v30, v29;
	v20 =	vadd.f32 v22, v20;
	v14 =	vld.idx.msk [tilespmem:v27+s16+$0x0], $0xffff;
	(pc) =	sbr.rel @p0 .LBB2_8-.Ltmp3, $4  }
0x176: {  	v22 =	vld.idx.msk [tilespmem:v23+s15+$0x0], $0xffff  }
0x177: {  	v21 =	vmax.f32 v16, $0.0e+00;
	v20 =	vadd.f32 v25, v20;
	v23 =	vld.idx.msk [tilespmem:v23+s16+$0x0], $0xffff  }
0x178: {  	v27 =	vor.u32 v1, v28;
	v21 =	vmul.f32 v21, v8;
	v24 =	vadd.f32 v35, v26;
	v16 =	vld.idx.msk [tilespmem:v11+s16+$0x0], $0xffff  }
0x179: {  	v26 =	vadd.f32 v31, v33;
	v25 =	vld.idx.msk [tilespmem:v15+s15+$0x0], $0xffff  }
0x17a: {  	_ =	sdelay $0x3  }
0x17b: {  	v28 =	vld.idx.msk [tilespmem:v19+s15+$0x0], $0xffff  }
0x17c: {  	v42 =	vld.idx.msk [tilespmem:v19+s16+$0x0], $0xffff  }
0x17d: {  	v29 =	vld.idx.msk [tilespmem:v27+s15+$0x0], $0xffff  }
0x17e: {  	v43 =	vld.idx.msk [tilespmem:v27+s16+$0x0], $0xffff;
	_ =	sdelay $0x2  }
0x17f: {  	v19 =	vadd.f32 v42, v28;
	_ =	sdelay $0x1  }
0x180: {  	v27 =	vadd.f32 v43, v29;
	v19 =	vmax.f32 v19, $0.0e+00  }
0x181: {  	v19 =	vmul.f32 v19, v8  }
0x182: {  	v27 =	vmax.f32 v27, $0.0e+00  }
0x183: {  	v27 =	vmul.f32 v27, v7;
	v19 =	vadd.f32 v19, v20;
	_ =	sdelay $0x1  }
0x184: {  	v19 =	vadd.f32 v27, v19;
	_ =	sdelay $0x1  }
0x185: {  	v44 =	vsub.f32 $0.0e+00, v19;
	_ =	sdelay $0x1  }
0x186: {  	v20 =	vmul.f32 $1.442695020e+00, v44;
	_ =	sdelay $0x1  }
0x187: {  	(erf) = vpow2.f32 v20;
	_ =	sdelay $0x7  }
0x188: {  	v15 =	vld.idx.msk [tilespmem:v15+s16+$0x0], $0xffff  }
0x189: {  	v20 =	vpop (erf)  }
0x18a: {  	v20 =	vadd.f32 $1.000000000e+00, v20  }
0x18b: {  	v19 =	vmul.f32 $1.442695020e+00, v19  }
0x18c: {  	(erf) = vrcp.f32 v20  }
0x18d: {  	v15 =	vadd.f32 v15, v25;
	(erf) = vpow2.f32 v19;
	_ =	sdelay $0x1  }
0x18e: {  	v15 =	vmax.f32 v15, $0.0e+00  }
0x18f: {  	v15 =	vmul.f32 v15, v8  }
0x190: {  	v45 =	vmax.f32 v24, $0.0e+00  }
0x191: {  	v15 =	vadd.f32 v15, v17;
	v19 =	vmul.f32 v45, v7;
	_ =	sdelay $0x1  }
0x192: {  	v15 =	vadd.f32 v19, v15  }
0x193: {  	v46 =	vpop (erf)  }
0x194: {  	v48 =	vsub.f32 $0.0e+00, v15;
	v47 =	vpop (erf)  }
0x195: {  	v19 =	vadd.f32 $1.000000000e+00, v47  }
0x196: {  	v20 =	vmul.f32 $1.442695020e+00, v48  }
0x197: {  	(erf) = vrcp.f32 v19  }
0x198: {  	(erf) = vpow2.f32 v20;
	_ =	sdelay $0x7  }
0x199: {  	v19 =	vpop (erf)  }
0x19a: {  	v20 =	vpop (erf)  }
0x19b: {  	v20 =	vadd.f32 $1.000000000e+00, v20  }
0x19c: {  	v15 =	vmul.f32 $1.442695020e+00, v15  }
0x19d: {  	(erf) = vrcp.f32 v20  }
0x19e: {  	(erf) = vpow2.f32 v15;
	_ =	sdelay $0x1  }
0x19f: {  	v49 =	vmax.f32 v26, $0.0e+00;
	v50 =	vadd.f32 v23, v22  }
0x1a0: {  	v15 =	vmul.f32 v49, v8  }
0x1a1: {  	v20 =	vmax.f32 v50, $0.0e+00  }
0x1a2: {  	v51 =	vmul.f32 v20, v7;
	v15 =	vadd.f32 v15, v18;
	_ =	sdelay $0x1  }
0x1a3: {  	v15 =	vadd.f32 v51, v15  }
0x1a4: {  	v52 =	vpop (erf)  }
0x1a5: {  	v54 =	vsub.f32 $0.0e+00, v15;
	v53 =	vpop (erf)  }
0x1a6: {  	v20 =	vadd.f32 $1.000000000e+00, v53  }
0x1a7: {  	v22 =	vmul.f32 $1.442695020e+00, v54  }
0x1a8: {  	(erf) = vrcp.f32 v20  }
0x1a9: {  	(erf) = vpow2.f32 v22;
	_ =	sdelay $0x7  }
0x1aa: {  	v11 =	vld.idx.msk [tilespmem:v11+s15+$0x0], $0xffff;
	v20 =	vpop (erf)  }
0x1ab: {  	v22 =	vpop (erf)  }
0x1ac: {  	v22 =	vadd.f32 $1.000000000e+00, v22  }
0x1ad: {  	v15 =	vmul.f32 $1.442695020e+00, v15  }
0x1ae: {  	(erf) = vrcp.f32 v22  }
0x1af: {  	v11 =	vadd.f32 v16, v11;
	(erf) = vpow2.f32 v15;
	_ =	sdelay $0x1  }
0x1b0: {  	v9 =	vadd.f32 v10, v9;
	v55 =	vmax.f32 v11, $0.0e+00  }
0x1b1: {  	v56 =	vmul.f32 v55, v8  }
0x1b2: {  	v9 =	vmax.f32 v9, $0.0e+00  }
0x1b3: {  	v9 =	vmul.f32 v9, v7;
	v8 =	vadd.f32 v56, v12;
	_ =	sdelay $0x1  }
0x1b4: {  	v8 =	vadd.f32 v9, v8  }
0x1b5: {  	v57 =	vpop (erf)  }
0x1b6: {  	v59 =	vsub.f32 $0.0e+00, v8;
	v58 =	vpop (erf)  }
0x1b7: {  	v10 =	vadd.f32 $1.000000000e+00, v58  }
0x1b8: {  	v11 =	vmul.f32 $1.442695020e+00, v59  }
0x1b9: {  	(erf) = vrcp.f32 v10  }
0x1ba: {  	(erf) = vpow2.f32 v11;
	_ =	sdelay $0x7  }
0x1bb: {  	v10 =	vpop (erf)  }
0x1bc: {  	v11 =	vpop (erf)  }
0x1bd: {  	v11 =	vadd.f32 $1.000000000e+00, v11  }
0x1be: {  	v8 =	vmul.f32 $1.442695020e+00, v8  }
0x1bf: {  	(erf) = vrcp.f32 v11  }
0x1c0: {  	(erf) = vpow2.f32 v8  }
0x1c1: {  	v60 =	vadd.f32 v14, v13;
	_ =	sdelay $0x1  }
0x1c2: {  	v8 =	vmax.f32 v60, $0.0e+00  }
0x1c3: {  	v7 =	vmul.f32 v8, v7  }
0x1c4: {  	v6 =	vadd.f32 v21, v6;
	_ =	sdelay $0x1  }
0x1c5: {  	v6 =	vadd.f32 v7, v6  }
0x1c6: {  	v7 =	vpop (erf)  }
0x1c7: {  	v62 =	vsub.f32 $0.0e+00, v6;
	v61 =	vpop (erf)  }
0x1c8: {  	v8 =	vadd.f32 $1.000000000e+00, v61  }
0x1c9: {  	v11 =	vmul.f32 $1.442695020e+00, v62  }
0x1ca: {  	(erf) = vrcp.f32 v8  }
0x1cb: {  	(erf) = vpow2.f32 v11;
	_ =	sdelay $0x7  }
0x1cc: {  	v8 =	vpop (erf)  }
0x1cd: {  	v11 =	vpop (erf)  }
0x1ce: {  	v11 =	vadd.f32 $1.000000000e+00, v11  }
0x1cf: {  	v6 =	vmul.f32 $1.442695020e+00, v6  }
0x1d0: {  	(erf) = vrcp.f32 v11  }
0x1d1: {  	(erf) = vpow2.f32 v6;
	_ =	sdelay $0x7  }
0x1d2: {  	v6 =	vpop (erf)  }
0x1d3: {  	v63 =	vpop (erf)  }
0x1d4: {  	v11 =	vadd.f32 $1.000000000e+00, v63;
	_ =	sdelay $0x1  }
0x1d5: {  	(erf) = vrcp.f32 v11  }
0x1d6: {  	[tilespmem:$0x116C0] =	vst v46  }
0x1d7: {  	[tilespmem:$0x13E40] =	vst v19  }
0x1d8: {  	[tilespmem:$0x116D0] =	vst v52  }
0x1d9: {  	[tilespmem:$0x13E50] =	vst v20  }
0x1da: {  	[tilespmem:$0x116E0] =	vst v57  }
0x1db: {  	[tilespmem:$0x13E60] =	vst v10  }
0x1dc: {  	[tilespmem:$0x116F0] =	vst v7  }
0x1dd: {  	[tilespmem:$0x13E70] =	vst v8  }
0x1de: {  	[tilespmem:$0x11700] =	vst v6;
	v6 =	vpop (erf)  }
0x1df: {  	[tilespmem:$0x13E80] =	vst v6  }
0x1e0: {  	[hbm4b:s8+s2] =	stream.linear.scatter [tilespmem:s21], [sflag:$0x3], $0x2710, $0x38;
	[tilespmem:$0x13F00] =	vst v63  }
0x1e1: {  	s23 =	sadd.s32 $0x1, s23;
	_ =	swait.ge [sflag:s12], $0x2710  }
0x1e2: {  	p0 =	sne.s32 s23, s10;
	[sflag:s12] =	ssyncset.done $0x0  }
.Ltmp4:
0x1e3: {  	[sflag:s12] =	ssyncadd.s32 $0xFFFFD8F0;
	(pc) =	sbr.rel @p0 .LBB2_1-.Ltmp4, $4  }
0x1e4: {  	[hbm4b:s9+s2] =	stream.linear.scatter [tilespmem:s22], [sflag:$0x3], $0x2710, $0x38;
	[tilespmem:$0x13F00] =	vst v63  }
0x1e5: {  	_ =	swait.ge [sflag:s12], $0x2710  }
0x1e6: {  	[sflag:s12] =	ssyncset.done $0x0  }
0x1e7: {  	[sflag:s12] =	ssyncadd.s32 $0xFFFFD8F0  }
0x1e8: {  	_ =	sfence.sel $0x180000  }
0x1e9: {  	[bflag:$0x0] =	sbarrier.arrive $0xFFFF  }
0x1ea: {  	p0 =	sne.s32 s1, $0x0;
	_ =	strace $0x90000047  }
0x1eb: {  	s0 =	sadd.s32 @!p0 $0x100000, s0;
	[bflag:$0x2] =	sbarrier.arrive $0xFFFF  }
0x1ec: {  	[sflag:s0] =	ssyncadd.tile.s32 @!p0 $0x1;
	_ =	shalt  }
.Lfunc_end2:
_tile_overlayer_lowered:
.L_overlay_start_2:
0x1ed: {  	(tag) =	ssettag $0x2  }
0x1ee: {  	s0 =	rddreg [dreg:$0x0];
	s2 =	stileid.u32  }
0x1ef: {  	s1 =	rddreg [dreg:$0x1];
	p0 =	sne.s32 s2, $0x0  }
0x1f0: {  	s3 =	rddreg [dreg:$0x2];
	[bflag:$0x3] =	sbarrier.arrive $0xFFFF;
	s2 =	simm.s32 @!p0 $0x1C03  }
0x1f1: {  	[timem:s3], [sflag:s2] =	dma.local @!p0 [hbm:s0], s1  }
0x1f2: {  	s0 =	simm.s32 @!p0 $0x3  }
0x1f3: {  	_ =	swait.ge @!p0 [sflag:s0], s1  }
0x1f4: {  	s1 =	ssub.s32 @!p0 $0x0, s1;
	[sflag:s0] =	ssyncset.done @!p0 $0x0  }
0x1f5: {  	[sflag:s0] =	ssyncadd.s32 @!p0 s1  }
0x1f6: {  	[bflag:$0x3] =	sbarrier.arrive $0xFFFF  }
0x1f7: {  	_ =	shalt  }

</sc_bundles>
